<compile_context>
chip_gen: v7x
topology: tpu7x:2x2x1
jax: 0.10.2.dev20260603
libtpu: 0.0.44.dev20260713+nightly
codegen_flags: <defaults>
</compile_context>

<pallas_src>
import jax
import jax.numpy as jnp
from jax import lax
from jax.experimental import pallas as pl
from jax.experimental.pallas import tpu as pltpu
from jax.experimental.pallas import tpu_sc as plsc

S = 2048
H = 16
LP = 4096
NC = 2
TI = S // 8
TJ = S // 128


def _bias_body(table_hbm, out_hbm, b2_ref, sem):
    c = lax.axis_index("c")
    s = lax.axis_index("s")
    w = s * NC + c
    h = w // 2
    base_i = (w % 2) * (TI // 2)

    staging = [pltpu.make_async_copy(
                   table_hbm.at[pl.ds((h * 8 + sh) * LP, LP)],
                   b2_ref.at[sh], sem)
               for sh in range(8)]
    for d in staging:
        d.start()
    for d in staging:
        d.wait()

    LAG = 8
    NW = TI // 2

    def row_dmas(v):
        ti = base_i + v
        base0 = pl.multiple_of((4095 - 7 - 2048) - 8 * ti, 8)
        return [pltpu.make_async_copy(
                    b2_ref.at[:, pl.ds(base0 + 128 * tj, 128)],
                    out_hbm.at[h, ti, tj], sem)
                for tj in range(TJ)]

    def wave(v, carry):
        @pl.when(v < NW)
        def _():
            for d in row_dmas(v):
                d.start()

        @pl.when(v >= LAG)
        def _():
            for d in row_dmas(v - LAG):
                d.wait()
        return carry

    lax.fori_loop(0, NW + LAG, wave, 0)


def kernel(seq_len, bias_table):
    del seq_len
    col = jnp.transpose(bias_table)
    tab = jnp.stack([col[:, 2055 - sh:2055 - sh + LP] for sh in range(8)],
                    axis=1)
    tab = tab.reshape(H * 8 * LP)
    run = pl.kernel(
        _bias_body,
        out_type=jax.ShapeDtypeStruct((H, TI, TJ, 8, 128), jnp.float32),
        mesh=plsc.VectorSubcoreMesh(core_axis_name="c", subcore_axis_name="s"),
        scratch_types=[pltpu.VMEM((8, LP), jnp.float32),
                       pltpu.SemaphoreType.DMA],
        compiler_params=pltpu.CompilerParams(use_tc_tiling_on_sc=False),
    )
    out5 = run(tab)
    return out5.transpose(0, 1, 3, 2, 4).reshape(1, H, S, S)

# --- scband reference (transcript-rebuilt; emitter-appended) ---
"""Pipeline reference for scband-relative-position-bias-79937931313671 (READ-ONLY COPY).

The authoritative reference and input builder live on the scoring server;
editing this copy changes nothing except your own understanding.
"""

import jax, jax.numpy as jnp
import numpy as np

MAX_SEQ_LEN = 4096
N_HEADS = 16


def setup_inputs(seed: int = 0) -> dict:
    key = jax.random.key(seed)
    bias_table = jax.random.normal(key, (2 * MAX_SEQ_LEN - 1, N_HEADS), dtype=jnp.float32) * 0.02
    return {"seq_len": 2048, "bias_table": bias_table}


def reference(seq_len, bias_table):
    positions = jnp.arange(2048) + (seq_len - seq_len)
    rel_pos = positions[None, :] - positions[:, None]
    rel_pos = jnp.clip(rel_pos, -(MAX_SEQ_LEN - 1), MAX_SEQ_LEN - 1)
    rel_pos = rel_pos + MAX_SEQ_LEN - 1
    bias = jnp.take(bias_table, rel_pos, axis=0)  # [S, S, H] gather from embedding table
    return jnp.transpose(bias, (2, 0, 1))[None, ...]  # [1, H, S, S]

if __name__ == "__main__":
    import jax
    _d = setup_inputs()
    print(jax.jit(kernel)(*tuple(_d.values())))

</pallas_src>

<mosaic_0001>
#map = affine_map<(d0, d1) -> (0)>
#map1 = affine_map<(d0, d1) -> (0, 0, 0, 0, 0)>
module attributes {stable_mosaic.version = 14 : i64} {
  func.func @_bias_body(%arg0: i32, %arg1: i32, %arg2: memref<524288xf32, #tpu.memory_space<hbm>>, %arg3: memref<16x256x16x8x128xf32, #tpu.memory_space<hbm>>, %arg4: memref<8x4096xf32, #tpu.memory_space<vmem>>, %arg5: memref<!tpu.dma_semaphore, #tpu.memory_space<semaphore_mem>>) attributes {dimension_semantics = [#tpu.dimension_semantics<core_parallel>, #tpu.dimension_semantics<subcore_parallel>], iteration_bounds = array<i64: 2, 16>, scalar_prefetch = 0 : i64, scratch_operands = 2 : i64, tpu.core_type = #tpu.core_type<sc_vector_subcore>, window_params = [{transform_indices = #map}, {transform_indices = #map1}]} {
    %mul3A = arith.constant 2 : i32
    %mul3A_0 = arith.muli %arg1, %mul3A : i32
    %add3A = arith.addi %mul3A_0, %arg0 : i32
    %jit3A = arith.constant 2 : i32
    %div3A = arith.divsi %add3A, %jit3A : i32
    %sign3A = arith.constant 0 : i32
    %sign3A_1 = arith.cmpi sgt, %add3A, %sign3A : i32
    %sign3A_2 = arith.extui %sign3A_1 : i1 to i32
    %sign3A_3 = arith.constant 0 : i32
    %sign3A_4 = arith.cmpi slt, %add3A, %sign3A_3 : i32
    %sign3A_5 = arith.extui %sign3A_4 : i1 to i32
    %sign3A_6 = arith.subi %sign3A_2, %sign3A_5 : i32
    %sign3A_7 = arith.constant 0 : i32
    %sign3A_8 = arith.cmpi sgt, %jit3A, %sign3A_7 : i32
    %sign3A_9 = arith.extui %sign3A_8 : i1 to i32
    %sign3A_10 = arith.constant 0 : i32
    %sign3A_11 = arith.cmpi slt, %jit3A, %sign3A_10 : i32
    %sign3A_12 = arith.extui %sign3A_11 : i1 to i32
    %sign3A_13 = arith.subi %sign3A_9, %sign3A_12 : i32
    %ne3A = arith.cmpi ne, %sign3A_6, %sign3A_13 : i32
    %rem3A = arith.remsi %add3A, %jit3A : i32
    %ne3A_14 = arith.constant 0 : i32
    %ne3A_15 = arith.cmpi ne, %rem3A, %ne3A_14 : i32
    %and3A = arith.andi %ne3A, %ne3A_15 : i1
    %sub3A = arith.constant 1 : i32
    %sub3A_16 = arith.subi %div3A, %sub3A : i32
    %select_n3A = arith.select %and3A, %sub3A_16, %div3A : i32
    %jit3A_17 = arith.constant 2 : i32
    %eq3A = arith.constant 0 : i32
    %eq3A_18 = arith.cmpi eq, %jit3A_17, %eq3A : i32
    %jit3A_19 = arith.constant 1 : i32
    %select_n3A_20 = arith.select %eq3A_18, %jit3A_19, %jit3A_17 : i32
    %rem3A_21 = arith.remsi %add3A, %select_n3A_20 : i32
    %ne3A_22 = arith.constant 0 : i32
    %ne3A_23 = arith.cmpi ne, %rem3A_21, %ne3A_22 : i32
    %lt3A = arith.constant 0 : i32
    %lt3A_24 = arith.cmpi slt, %rem3A_21, %lt3A : i32
    %lt3A_25 = arith.constant 0 : i32
    %lt3A_26 = arith.cmpi slt, %select_n3A_20, %lt3A_25 : i32
    %ne3A_27 = arith.xori %lt3A_24, %lt3A_26 : i1
    %and3A_28 = arith.andi %ne3A_27, %ne3A_23 : i1
    %add3A_29 = arith.addi %rem3A_21, %select_n3A_20 : i32
    %select_n3A_30 = arith.select %and3A_28, %add3A_29, %rem3A_21 : i32
    %mul3A_31 = arith.constant 128 : i32
    %mul3A_32 = arith.muli %select_n3A_30, %mul3A_31 : i32
    %mul3A_33 = arith.constant 8 : i32
    %mul3A_34 = arith.muli %select_n3A, %mul3A_33 : i32
    %add3A_35 = arith.constant 0 : i32
    %add3A_36 = arith.addi %mul3A_34, %add3A_35 : i32
    %mul3A_37 = arith.constant 4096 : i32
    %mul3A_38 = arith.muli %add3A_36, %mul3A_37 : i32
    %mul3A_39 = arith.constant 8 : i32
    %mul3A_40 = arith.muli %select_n3A, %mul3A_39 : i32
    %add3A_41 = arith.constant 1 : i32
    %add3A_42 = arith.addi %mul3A_40, %add3A_41 : i32
    %mul3A_43 = arith.constant 4096 : i32
    %mul3A_44 = arith.muli %add3A_42, %mul3A_43 : i32
    %mul3A_45 = arith.constant 8 : i32
    %mul3A_46 = arith.muli %select_n3A, %mul3A_45 : i32
    %add3A_47 = arith.constant 2 : i32
    %add3A_48 = arith.addi %mul3A_46, %add3A_47 : i32
    %mul3A_49 = arith.constant 4096 : i32
    %mul3A_50 = arith.muli %add3A_48, %mul3A_49 : i32
    %mul3A_51 = arith.constant 8 : i32
    %mul3A_52 = arith.muli %select_n3A, %mul3A_51 : i32
    %add3A_53 = arith.constant 3 : i32
    %add3A_54 = arith.addi %mul3A_52, %add3A_53 : i32
    %mul3A_55 = arith.constant 4096 : i32
    %mul3A_56 = arith.muli %add3A_54, %mul3A_55 : i32
    %mul3A_57 = arith.constant 8 : i32
    %mul3A_58 = arith.muli %select_n3A, %mul3A_57 : i32
    %add3A_59 = arith.constant 4 : i32
    %add3A_60 = arith.addi %mul3A_58, %add3A_59 : i32
    %mul3A_61 = arith.constant 4096 : i32
    %mul3A_62 = arith.muli %add3A_60, %mul3A_61 : i32
    %mul3A_63 = arith.constant 8 : i32
    %mul3A_64 = arith.muli %select_n3A, %mul3A_63 : i32
    %add3A_65 = arith.constant 5 : i32
    %add3A_66 = arith.addi %mul3A_64, %add3A_65 : i32
    %mul3A_67 = arith.constant 4096 : i32
    %mul3A_68 = arith.muli %add3A_66, %mul3A_67 : i32
    %mul3A_69 = arith.constant 8 : i32
    %mul3A_70 = arith.muli %select_n3A, %mul3A_69 : i32
    %add3A_71 = arith.constant 6 : i32
    %add3A_72 = arith.addi %mul3A_70, %add3A_71 : i32
    %mul3A_73 = arith.constant 4096 : i32
    %mul3A_74 = arith.muli %add3A_72, %mul3A_73 : i32
    %mul3A_75 = arith.constant 8 : i32
    %mul3A_76 = arith.muli %select_n3A, %mul3A_75 : i32
    %add3A_77 = arith.constant 7 : i32
    %add3A_78 = arith.addi %mul3A_76, %add3A_77 : i32
    %mul3A_79 = arith.constant 4096 : i32
    %mul3A_80 = arith.muli %add3A_78, %mul3A_79 : i32
    %dma_start3A = arith.constant 0 : i32
    %dma_start3A_81 = arith.constant 0 : i32
    %dma_start3A_82 = tpu.memref_slice %arg4[%dma_start3A, %dma_start3A_81] : memref<8x4096xf32, #tpu.memory_space<vmem>> -> memref<1x4096xf32, #tpu.memory_space<vmem>>
    %dma_start3A_83 = tpu.memref_squeeze %dma_start3A_82 : memref<1x4096xf32, #tpu.memory_space<vmem>> -> memref<4096xf32, #tpu.memory_space<vmem>>
    %dma_start3A_84 = tpu.memref_slice %arg2[%mul3A_38] : memref<524288xf32, #tpu.memory_space<hbm>> -> memref<4096xf32, #tpu.memory_space<hbm>>
    %dma_start3A_85 = arith.constant 0 : i32
    %dma_start3A_86 = tpu.memref_slice %arg4[%dma_start3A, %dma_start3A_85] : memref<8x4096xf32, #tpu.memory_space<vmem>> -> memref<1x4096xf32, #tpu.memory_space<vmem>>
    %dma_start3A_87 = tpu.memref_squeeze %dma_start3A_86 : memref<1x4096xf32, #tpu.memory_space<vmem>> -> memref<4096xf32, #tpu.memory_space<vmem>>
    %dma_start3A_88 = tpu.memref_slice %arg2[%mul3A_38] : memref<524288xf32, #tpu.memory_space<hbm>> -> memref<4096xf32, #tpu.memory_space<hbm>>
    tpu.enqueue_dma source(%dma_start3A_88 : memref<4096xf32, #tpu.memory_space<hbm>>) target(%dma_start3A_87 : memref<4096xf32, #tpu.memory_space<vmem>>) target_semaphore(%arg5 : memref<!tpu.dma_semaphore, #tpu.memory_space<semaphore_mem>>)
    %dma_start3A_89 = arith.constant 1 : i32
    %dma_start3A_90 = arith.constant 0 : i32
    %dma_start3A_91 = tpu.memref_slice %arg4[%dma_start3A_89, %dma_start3A_90] : memref<8x4096xf32, #tpu.memory_space<vmem>> -> memref<1x4096xf32, #tpu.memory_space<vmem>>
    %dma_start3A_92 = tpu.memref_squeeze %dma_start3A_91 : memref<1x4096xf32, #tpu.memory_space<vmem>> -> memref<4096xf32, #tpu.memory_space<vmem>>
    %dma_start3A_93 = tpu.memref_slice %arg2[%mul3A_44] : memref<524288xf32, #tpu.memory_space<hbm>> -> memref<4096xf32, #tpu.memory_space<hbm>>
    %dma_start3A_94 = arith.constant 0 : i32
    %dma_start3A_95 = tpu.memref_slice %arg4[%dma_start3A_89, %dma_start3A_94] : memref<8x4096xf32, #tpu.memory_space<vmem>> -> memref<1x4096xf32, #tpu.memory_space<vmem>>
    %dma_start3A_96 = tpu.memref_squeeze %dma_start3A_95 : memref<1x4096xf32, #tpu.memory_space<vmem>> -> memref<4096xf32, #tpu.memory_space<vmem>>
    %dma_start3A_97 = tpu.memref_slice %arg2[%mul3A_44] : memref<524288xf32, #tpu.memory_space<hbm>> -> memref<4096xf32, #tpu.memory_space<hbm>>
    tpu.enqueue_dma source(%dma_start3A_97 : memref<4096xf32, #tpu.memory_space<hbm>>) target(%dma_start3A_96 : memref<4096xf32, #tpu.memory_space<vmem>>) target_semaphore(%arg5 : memref<!tpu.dma_semaphore, #tpu.memory_space<semaphore_mem>>)
    %dma_start3A_98 = arith.constant 2 : i32
    %dma_start3A_99 = arith.constant 0 : i32
    %dma_start3A_100 = tpu.memref_slice %arg4[%dma_start3A_98, %dma_start3A_99] : memref<8x4096xf32, #tpu.memory_space<vmem>> -> memref<1x4096xf32, #tpu.memory_space<vmem>>
    %dma_start3A_101 = tpu.memref_squeeze %dma_start3A_100 : memref<1x4096xf32, #tpu.memory_space<vmem>> -> memref<4096xf32, #tpu.memory_space<vmem>>
    %dma_start3A_102 = tpu.memref_slice %arg2[%mul3A_50] : memref<524288xf32, #tpu.memory_space<hbm>> -> memref<4096xf32, #tpu.memory_space<hbm>>
    %dma_start3A_103 = arith.constant 0 : i32
    %dma_start3A_104 = tpu.memref_slice %arg4[%dma_start3A_98, %dma_start3A_103] : memref<8x4096xf32, #tpu.memory_space<vmem>> -> memref<1x4096xf32, #tpu.memory_space<vmem>>
    %dma_start3A_105 = tpu.memref_squeeze %dma_start3A_104 : memref<1x4096xf32, #tpu.memory_space<vmem>> -> memref<4096xf32, #tpu.memory_space<vmem>>
    %dma_start3A_106 = tpu.memref_slice %arg2[%mul3A_50] : memref<524288xf32, #tpu.memory_space<hbm>> -> memref<4096xf32, #tpu.memory_space<hbm>>
    tpu.enqueue_dma source(%dma_start3A_106 : memref<4096xf32, #tpu.memory_space<hbm>>) target(%dma_start3A_105 : memref<4096xf32, #tpu.memory_space<vmem>>) target_semaphore(%arg5 : memref<!tpu.dma_semaphore, #tpu.memory_space<semaphore_mem>>)
    %dma_start3A_107 = arith.constant 3 : i32
    %dma_start3A_108 = arith.constant 0 : i32
    %dma_start3A_109 = tpu.memref_slice %arg4[%dma_start3A_107, %dma_start3A_108] : memref<8x4096xf32, #tpu.memory_space<vmem>> -> memref<1x4096xf32, #tpu.memory_space<vmem>>
    %dma_start3A_110 = tpu.memref_squeeze %dma_start3A_109 : memref<1x4096xf32, #tpu.memory_space<vmem>> -> memref<4096xf32, #tpu.memory_space<vmem>>
    %dma_start3A_111 = tpu.memref_slice %arg2[%mul3A_56] : memref<524288xf32, #tpu.memory_space<hbm>> -> memref<4096xf32, #tpu.memory_space<hbm>>
    %dma_start3A_112 = arith.constant 0 : i32
    %dma_start3A_113 = tpu.memref_slice %arg4[%dma_start3A_107, %dma_start3A_112] : memref<8x4096xf32, #tpu.memory_space<vmem>> -> memref<1x4096xf32, #tpu.memory_space<vmem>>
    %dma_start3A_114 = tpu.memref_squeeze %dma_start3A_113 : memref<1x4096xf32, #tpu.memory_space<vmem>> -> memref<4096xf32, #tpu.memory_space<vmem>>
    %dma_start3A_115 = tpu.memref_slice %arg2[%mul3A_56] : memref<524288xf32, #tpu.memory_space<hbm>> -> memref<4096xf32, #tpu.memory_space<hbm>>
    tpu.enqueue_dma source(%dma_start3A_115 : memref<4096xf32, #tpu.memory_space<hbm>>) target(%dma_start3A_114 : memref<4096xf32, #tpu.memory_space<vmem>>) target_semaphore(%arg5 : memref<!tpu.dma_semaphore, #tpu.memory_space<semaphore_mem>>)
    %dma_start3A_116 = arith.constant 4 : i32
    %dma_start3A_117 = arith.constant 0 : i32
    %dma_start3A_118 = tpu.memref_slice %arg4[%dma_start3A_116, %dma_start3A_117] : memref<8x4096xf32, #tpu.memory_space<vmem>> -> memref<1x4096xf32, #tpu.memory_space<vmem>>
    %dma_start3A_119 = tpu.memref_squeeze %dma_start3A_118 : memref<1x4096xf32, #tpu.memory_space<vmem>> -> memref<4096xf32, #tpu.memory_space<vmem>>
    %dma_start3A_120 = tpu.memref_slice %arg2[%mul3A_62] : memref<524288xf32, #tpu.memory_space<hbm>> -> memref<4096xf32, #tpu.memory_space<hbm>>
    %dma_start3A_121 = arith.constant 0 : i32
    %dma_start3A_122 = tpu.memref_slice %arg4[%dma_start3A_116, %dma_start3A_121] : memref<8x4096xf32, #tpu.memory_space<vmem>> -> memref<1x4096xf32, #tpu.memory_space<vmem>>
    %dma_start3A_123 = tpu.memref_squeeze %dma_start3A_122 : memref<1x4096xf32, #tpu.memory_space<vmem>> -> memref<4096xf32, #tpu.memory_space<vmem>>
    %dma_start3A_124 = tpu.memref_slice %arg2[%mul3A_62] : memref<524288xf32, #tpu.memory_space<hbm>> -> memref<4096xf32, #tpu.memory_space<hbm>>
    tpu.enqueue_dma source(%dma_start3A_124 : memref<4096xf32, #tpu.memory_space<hbm>>) target(%dma_start3A_123 : memref<4096xf32, #tpu.memory_space<vmem>>) target_semaphore(%arg5 : memref<!tpu.dma_semaphore, #tpu.memory_space<semaphore_mem>>)
    %dma_start3A_125 = arith.constant 5 : i32
    %dma_start3A_126 = arith.constant 0 : i32
    %dma_start3A_127 = tpu.memref_slice %arg4[%dma_start3A_125, %dma_start3A_126] : memref<8x4096xf32, #tpu.memory_space<vmem>> -> memref<1x4096xf32, #tpu.memory_space<vmem>>
    %dma_start3A_128 = tpu.memref_squeeze %dma_start3A_127 : memref<1x4096xf32, #tpu.memory_space<vmem>> -> memref<4096xf32, #tpu.memory_space<vmem>>
    %dma_start3A_129 = tpu.memref_slice %arg2[%mul3A_68] : memref<524288xf32, #tpu.memory_space<hbm>> -> memref<4096xf32, #tpu.memory_space<hbm>>
    %dma_start3A_130 = arith.constant 0 : i32
    %dma_start3A_131 = tpu.memref_slice %arg4[%dma_start3A_125, %dma_start3A_130] : memref<8x4096xf32, #tpu.memory_space<vmem>> -> memref<1x4096xf32, #tpu.memory_space<vmem>>
    %dma_start3A_132 = tpu.memref_squeeze %dma_start3A_131 : memref<1x4096xf32, #tpu.memory_space<vmem>> -> memref<4096xf32, #tpu.memory_space<vmem>>
    %dma_start3A_133 = tpu.memref_slice %arg2[%mul3A_68] : memref<524288xf32, #tpu.memory_space<hbm>> -> memref<4096xf32, #tpu.memory_space<hbm>>
    tpu.enqueue_dma source(%dma_start3A_133 : memref<4096xf32, #tpu.memory_space<hbm>>) target(%dma_start3A_132 : memref<4096xf32, #tpu.memory_space<vmem>>) target_semaphore(%arg5 : memref<!tpu.dma_semaphore, #tpu.memory_space<semaphore_mem>>)
    %dma_start3A_134 = arith.constant 6 : i32
    %dma_start3A_135 = arith.constant 0 : i32
    %dma_start3A_136 = tpu.memref_slice %arg4[%dma_start3A_134, %dma_start3A_135] : memref<8x4096xf32, #tpu.memory_space<vmem>> -> memref<1x4096xf32, #tpu.memory_space<vmem>>
    %dma_start3A_137 = tpu.memref_squeeze %dma_start3A_136 : memref<1x4096xf32, #tpu.memory_space<vmem>> -> memref<4096xf32, #tpu.memory_space<vmem>>
    %dma_start3A_138 = tpu.memref_slice %arg2[%mul3A_74] : memref<524288xf32, #tpu.memory_space<hbm>> -> memref<4096xf32, #tpu.memory_space<hbm>>
    %dma_start3A_139 = arith.constant 0 : i32
    %dma_start3A_140 = tpu.memref_slice %arg4[%dma_start3A_134, %dma_start3A_139] : memref<8x4096xf32, #tpu.memory_space<vmem>> -> memref<1x4096xf32, #tpu.memory_space<vmem>>
    %dma_start3A_141 = tpu.memref_squeeze %dma_start3A_140 : memref<1x4096xf32, #tpu.memory_space<vmem>> -> memref<4096xf32, #tpu.memory_space<vmem>>
    %dma_start3A_142 = tpu.memref_slice %arg2[%mul3A_74] : memref<524288xf32, #tpu.memory_space<hbm>> -> memref<4096xf32, #tpu.memory_space<hbm>>
    tpu.enqueue_dma source(%dma_start3A_142 : memref<4096xf32, #tpu.memory_space<hbm>>) target(%dma_start3A_141 : memref<4096xf32, #tpu.memory_space<vmem>>) target_semaphore(%arg5 : memref<!tpu.dma_semaphore, #tpu.memory_space<semaphore_mem>>)
    %dma_start3A_143 = arith.constant 7 : i32
    %dma_start3A_144 = arith.constant 0 : i32
    %dma_start3A_145 = tpu.memref_slice %arg4[%dma_start3A_143, %dma_start3A_144] : memref<8x4096xf32, #tpu.memory_space<vmem>> -> memref<1x4096xf32, #tpu.memory_space<vmem>>
    %dma_start3A_146 = tpu.memref_squeeze %dma_start3A_145 : memref<1x4096xf32, #tpu.memory_space<vmem>> -> memref<4096xf32, #tpu.memory_space<vmem>>
    %dma_start3A_147 = tpu.memref_slice %arg2[%mul3A_80] : memref<524288xf32, #tpu.memory_space<hbm>> -> memref<4096xf32, #tpu.memory_space<hbm>>
    %dma_start3A_148 = arith.constant 0 : i32
    %dma_start3A_149 = tpu.memref_slice %arg4[%dma_start3A_143, %dma_start3A_148] : memref<8x4096xf32, #tpu.memory_space<vmem>> -> memref<1x4096xf32, #tpu.memory_space<vmem>>
    %dma_start3A_150 = tpu.memref_squeeze %dma_start3A_149 : memref<1x4096xf32, #tpu.memory_space<vmem>> -> memref<4096xf32, #tpu.memory_space<vmem>>
    %dma_start3A_151 = tpu.memref_slice %arg2[%mul3A_80] : memref<524288xf32, #tpu.memory_space<hbm>> -> memref<4096xf32, #tpu.memory_space<hbm>>
    tpu.enqueue_dma source(%dma_start3A_151 : memref<4096xf32, #tpu.memory_space<hbm>>) target(%dma_start3A_150 : memref<4096xf32, #tpu.memory_space<vmem>>) target_semaphore(%arg5 : memref<!tpu.dma_semaphore, #tpu.memory_space<semaphore_mem>>)
    %dma_wait3A = arith.constant 0 : i32
    %dma_wait3A_152 = arith.constant 0 : i32
    %dma_wait3A_153 = tpu.memref_slice %arg4[%dma_wait3A, %dma_wait3A_152] : memref<8x4096xf32, #tpu.memory_space<vmem>> -> memref<1x4096xf32, #tpu.memory_space<vmem>>
    %dma_wait3A_154 = tpu.memref_squeeze %dma_wait3A_153 : memref<1x4096xf32, #tpu.memory_space<vmem>> -> memref<4096xf32, #tpu.memory_space<vmem>>
    %dma_wait3A_155 = tpu.memref_slice %arg2[%mul3A_38] : memref<524288xf32, #tpu.memory_space<hbm>> -> memref<4096xf32, #tpu.memory_space<hbm>>
    %dma_wait3A_156 = arith.constant 0 : i32
    %dma_wait3A_157 = tpu.memref_slice %arg4[%dma_wait3A, %dma_wait3A_156] : memref<8x4096xf32, #tpu.memory_space<vmem>> -> memref<1x4096xf32, #tpu.memory_space<vmem>>
    %dma_wait3A_158 = tpu.memref_squeeze %dma_wait3A_157 : memref<1x4096xf32, #tpu.memory_space<vmem>> -> memref<4096xf32, #tpu.memory_space<vmem>>
    %dma_wait3A_159 = tpu.memref_slice %arg2[%mul3A_38] : memref<524288xf32, #tpu.memory_space<hbm>> -> memref<4096xf32, #tpu.memory_space<hbm>>
    tpu.wait_dma2 semaphore(%arg5 : memref<!tpu.dma_semaphore, #tpu.memory_space<semaphore_mem>>) src(%dma_wait3A_159 : memref<4096xf32, #tpu.memory_space<hbm>>) dst(%dma_wait3A_158 : memref<4096xf32, #tpu.memory_space<vmem>>)
    %dma_wait3A_160 = arith.constant 1 : i32
    %dma_wait3A_161 = arith.constant 0 : i32
    %dma_wait3A_162 = tpu.memref_slice %arg4[%dma_wait3A_160, %dma_wait3A_161] : memref<8x4096xf32, #tpu.memory_space<vmem>> -> memref<1x4096xf32, #tpu.memory_space<vmem>>
    %dma_wait3A_163 = tpu.memref_squeeze %dma_wait3A_162 : memref<1x4096xf32, #tpu.memory_space<vmem>> -> memref<4096xf32, #tpu.memory_space<vmem>>
    %dma_wait3A_164 = tpu.memref_slice %arg2[%mul3A_44] : memref<524288xf32, #tpu.memory_space<hbm>> -> memref<4096xf32, #tpu.memory_space<hbm>>
    %dma_wait3A_165 = arith.constant 0 : i32
    %dma_wait3A_166 = tpu.memref_slice %arg4[%dma_wait3A_160, %dma_wait3A_165] : memref<8x4096xf32, #tpu.memory_space<vmem>> -> memref<1x4096xf32, #tpu.memory_space<vmem>>
    %dma_wait3A_167 = tpu.memref_squeeze %dma_wait3A_166 : memref<1x4096xf32, #tpu.memory_space<vmem>> -> memref<4096xf32, #tpu.memory_space<vmem>>
    %dma_wait3A_168 = tpu.memref_slice %arg2[%mul3A_44] : memref<524288xf32, #tpu.memory_space<hbm>> -> memref<4096xf32, #tpu.memory_space<hbm>>
    tpu.wait_dma2 semaphore(%arg5 : memref<!tpu.dma_semaphore, #tpu.memory_space<semaphore_mem>>) src(%dma_wait3A_168 : memref<4096xf32, #tpu.memory_space<hbm>>) dst(%dma_wait3A_167 : memref<4096xf32, #tpu.memory_space<vmem>>)
    %dma_wait3A_169 = arith.constant 2 : i32
    %dma_wait3A_170 = arith.constant 0 : i32
    %dma_wait3A_171 = tpu.memref_slice %arg4[%dma_wait3A_169, %dma_wait3A_170] : memref<8x4096xf32, #tpu.memory_space<vmem>> -> memref<1x4096xf32, #tpu.memory_space<vmem>>
    %dma_wait3A_172 = tpu.memref_squeeze %dma_wait3A_171 : memref<1x4096xf32, #tpu.memory_space<vmem>> -> memref<4096xf32, #tpu.memory_space<vmem>>
    %dma_wait3A_173 = tpu.memref_slice %arg2[%mul3A_50] : memref<524288xf32, #tpu.memory_space<hbm>> -> memref<4096xf32, #tpu.memory_space<hbm>>
    %dma_wait3A_174 = arith.constant 0 : i32
    %dma_wait3A_175 = tpu.memref_slice %arg4[%dma_wait3A_169, %dma_wait3A_174] : memref<8x4096xf32, #tpu.memory_space<vmem>> -> memref<1x4096xf32, #tpu.memory_space<vmem>>
    %dma_wait3A_176 = tpu.memref_squeeze %dma_wait3A_175 : memref<1x4096xf32, #tpu.memory_space<vmem>> -> memref<4096xf32, #tpu.memory_space<vmem>>
    %dma_wait3A_177 = tpu.memref_slice %arg2[%mul3A_50] : memref<524288xf32, #tpu.memory_space<hbm>> -> memref<4096xf32, #tpu.memory_space<hbm>>
    tpu.wait_dma2 semaphore(%arg5 : memref<!tpu.dma_semaphore, #tpu.memory_space<semaphore_mem>>) src(%dma_wait3A_177 : memref<4096xf32, #tpu.memory_space<hbm>>) dst(%dma_wait3A_176 : memref<4096xf32, #tpu.memory_space<vmem>>)
    %dma_wait3A_178 = arith.constant 3 : i32
    %dma_wait3A_179 = arith.constant 0 : i32
    %dma_wait3A_180 = tpu.memref_slice %arg4[%dma_wait3A_178, %dma_wait3A_179] : memref<8x4096xf32, #tpu.memory_space<vmem>> -> memref<1x4096xf32, #tpu.memory_space<vmem>>
    %dma_wait3A_181 = tpu.memref_squeeze %dma_wait3A_180 : memref<1x4096xf32, #tpu.memory_space<vmem>> -> memref<4096xf32, #tpu.memory_space<vmem>>
    %dma_wait3A_182 = tpu.memref_slice %arg2[%mul3A_56] : memref<524288xf32, #tpu.memory_space<hbm>> -> memref<4096xf32, #tpu.memory_space<hbm>>
    %dma_wait3A_183 = arith.constant 0 : i32
    %dma_wait3A_184 = tpu.memref_slice %arg4[%dma_wait3A_178, %dma_wait3A_183] : memref<8x4096xf32, #tpu.memory_space<vmem>> -> memref<1x4096xf32, #tpu.memory_space<vmem>>
    %dma_wait3A_185 = tpu.memref_squeeze %dma_wait3A_184 : memref<1x4096xf32, #tpu.memory_space<vmem>> -> memref<4096xf32, #tpu.memory_space<vmem>>
    %dma_wait3A_186 = tpu.memref_slice %arg2[%mul3A_56] : memref<524288xf32, #tpu.memory_space<hbm>> -> memref<4096xf32, #tpu.memory_space<hbm>>
    tpu.wait_dma2 semaphore(%arg5 : memref<!tpu.dma_semaphore, #tpu.memory_space<semaphore_mem>>) src(%dma_wait3A_186 : memref<4096xf32, #tpu.memory_space<hbm>>) dst(%dma_wait3A_185 : memref<4096xf32, #tpu.memory_space<vmem>>)
    %dma_wait3A_187 = arith.constant 4 : i32
    %dma_wait3A_188 = arith.constant 0 : i32
    %dma_wait3A_189 = tpu.memref_slice %arg4[%dma_wait3A_187, %dma_wait3A_188] : memref<8x4096xf32, #tpu.memory_space<vmem>> -> memref<1x4096xf32, #tpu.memory_space<vmem>>
    %dma_wait3A_190 = tpu.memref_squeeze %dma_wait3A_189 : memref<1x4096xf32, #tpu.memory_space<vmem>> -> memref<4096xf32, #tpu.memory_space<vmem>>
    %dma_wait3A_191 = tpu.memref_slice %arg2[%mul3A_62] : memref<524288xf32, #tpu.memory_space<hbm>> -> memref<4096xf32, #tpu.memory_space<hbm>>
    %dma_wait3A_192 = arith.constant 0 : i32
    %dma_wait3A_193 = tpu.memref_slice %arg4[%dma_wait3A_187, %dma_wait3A_192] : memref<8x4096xf32, #tpu.memory_space<vmem>> -> memref<1x4096xf32, #tpu.memory_space<vmem>>
    %dma_wait3A_194 = tpu.memref_squeeze %dma_wait3A_193 : memref<1x4096xf32, #tpu.memory_space<vmem>> -> memref<4096xf32, #tpu.memory_space<vmem>>
    %dma_wait3A_195 = tpu.memref_slice %arg2[%mul3A_62] : memref<524288xf32, #tpu.memory_space<hbm>> -> memref<4096xf32, #tpu.memory_space<hbm>>
    tpu.wait_dma2 semaphore(%arg5 : memref<!tpu.dma_semaphore, #tpu.memory_space<semaphore_mem>>) src(%dma_wait3A_195 : memref<4096xf32, #tpu.memory_space<hbm>>) dst(%dma_wait3A_194 : memref<4096xf32, #tpu.memory_space<vmem>>)
    %dma_wait3A_196 = arith.constant 5 : i32
    %dma_wait3A_197 = arith.constant 0 : i32
    %dma_wait3A_198 = tpu.memref_slice %arg4[%dma_wait3A_196, %dma_wait3A_197] : memref<8x4096xf32, #tpu.memory_space<vmem>> -> memref<1x4096xf32, #tpu.memory_space<vmem>>
    %dma_wait3A_199 = tpu.memref_squeeze %dma_wait3A_198 : memref<1x4096xf32, #tpu.memory_space<vmem>> -> memref<4096xf32, #tpu.memory_space<vmem>>
    %dma_wait3A_200 = tpu.memref_slice %arg2[%mul3A_68] : memref<524288xf32, #tpu.memory_space<hbm>> -> memref<4096xf32, #tpu.memory_space<hbm>>
    %dma_wait3A_201 = arith.constant 0 : i32
    %dma_wait3A_202 = tpu.memref_slice %arg4[%dma_wait3A_196, %dma_wait3A_201] : memref<8x4096xf32, #tpu.memory_space<vmem>> -> memref<1x4096xf32, #tpu.memory_space<vmem>>
    %dma_wait3A_203 = tpu.memref_squeeze %dma_wait3A_202 : memref<1x4096xf32, #tpu.memory_space<vmem>> -> memref<4096xf32, #tpu.memory_space<vmem>>
    %dma_wait3A_204 = tpu.memref_slice %arg2[%mul3A_68] : memref<524288xf32, #tpu.memory_space<hbm>> -> memref<4096xf32, #tpu.memory_space<hbm>>
    tpu.wait_dma2 semaphore(%arg5 : memref<!tpu.dma_semaphore, #tpu.memory_space<semaphore_mem>>) src(%dma_wait3A_204 : memref<4096xf32, #tpu.memory_space<hbm>>) dst(%dma_wait3A_203 : memref<4096xf32, #tpu.memory_space<vmem>>)
    %dma_wait3A_205 = arith.constant 6 : i32
    %dma_wait3A_206 = arith.constant 0 : i32
    %dma_wait3A_207 = tpu.memref_slice %arg4[%dma_wait3A_205, %dma_wait3A_206] : memref<8x4096xf32, #tpu.memory_space<vmem>> -> memref<1x4096xf32, #tpu.memory_space<vmem>>
    %dma_wait3A_208 = tpu.memref_squeeze %dma_wait3A_207 : memref<1x4096xf32, #tpu.memory_space<vmem>> -> memref<4096xf32, #tpu.memory_space<vmem>>
    %dma_wait3A_209 = tpu.memref_slice %arg2[%mul3A_74] : memref<524288xf32, #tpu.memory_space<hbm>> -> memref<4096xf32, #tpu.memory_space<hbm>>
    %dma_wait3A_210 = arith.constant 0 : i32
    %dma_wait3A_211 = tpu.memref_slice %arg4[%dma_wait3A_205, %dma_wait3A_210] : memref<8x4096xf32, #tpu.memory_space<vmem>> -> memref<1x4096xf32, #tpu.memory_space<vmem>>
    %dma_wait3A_212 = tpu.memref_squeeze %dma_wait3A_211 : memref<1x4096xf32, #tpu.memory_space<vmem>> -> memref<4096xf32, #tpu.memory_space<vmem>>
    %dma_wait3A_213 = tpu.memref_slice %arg2[%mul3A_74] : memref<524288xf32, #tpu.memory_space<hbm>> -> memref<4096xf32, #tpu.memory_space<hbm>>
    tpu.wait_dma2 semaphore(%arg5 : memref<!tpu.dma_semaphore, #tpu.memory_space<semaphore_mem>>) src(%dma_wait3A_213 : memref<4096xf32, #tpu.memory_space<hbm>>) dst(%dma_wait3A_212 : memref<4096xf32, #tpu.memory_space<vmem>>)
    %dma_wait3A_214 = arith.constant 7 : i32
    %dma_wait3A_215 = arith.constant 0 : i32
    %dma_wait3A_216 = tpu.memref_slice %arg4[%dma_wait3A_214, %dma_wait3A_215] : memref<8x4096xf32, #tpu.memory_space<vmem>> -> memref<1x4096xf32, #tpu.memory_space<vmem>>
    %dma_wait3A_217 = tpu.memref_squeeze %dma_wait3A_216 : memref<1x4096xf32, #tpu.memory_space<vmem>> -> memref<4096xf32, #tpu.memory_space<vmem>>
    %dma_wait3A_218 = tpu.memref_slice %arg2[%mul3A_80] : memref<524288xf32, #tpu.memory_space<hbm>> -> memref<4096xf32, #tpu.memory_space<hbm>>
    %dma_wait3A_219 = arith.constant 0 : i32
    %dma_wait3A_220 = tpu.memref_slice %arg4[%dma_wait3A_214, %dma_wait3A_219] : memref<8x4096xf32, #tpu.memory_space<vmem>> -> memref<1x4096xf32, #tpu.memory_space<vmem>>
    %dma_wait3A_221 = tpu.memref_squeeze %dma_wait3A_220 : memref<1x4096xf32, #tpu.memory_space<vmem>> -> memref<4096xf32, #tpu.memory_space<vmem>>
    %dma_wait3A_222 = tpu.memref_slice %arg2[%mul3A_80] : memref<524288xf32, #tpu.memory_space<hbm>> -> memref<4096xf32, #tpu.memory_space<hbm>>
    tpu.wait_dma2 semaphore(%arg5 : memref<!tpu.dma_semaphore, #tpu.memory_space<semaphore_mem>>) src(%dma_wait3A_222 : memref<4096xf32, #tpu.memory_space<hbm>>) dst(%dma_wait3A_221 : memref<4096xf32, #tpu.memory_space<vmem>>)
    %scan3A = arith.constant 0 : i32
    %scan3A_223 = arith.constant 0 : i32
    %scan3A_224 = arith.constant 136 : i32
    %scan3A_225 = arith.addi %scan3A_223, %scan3A_224 : i32
    %scan3A_226 = arith.constant 1 : i32
    scf.for %scan3A_228 = %scan3A_223 to %scan3A_225 step %scan3A_226  : i32 {
      %lt3A_229 = arith.constant 128 : i32
      %lt3A_230 = arith.cmpi slt, %scan3A_228, %lt3A_229 : i32
      %convert_element_type3A = arith.extui %lt3A_230 : i1 to i32
      %cond3A = arith.constant 0 : i32
      %cond3A_231 = arith.cmpi ne, %convert_element_type3A, %cond3A : i32
      scf.if %cond3A_231 {
        %add3A_236 = arith.addi %mul3A_32, %scan3A_228 : i32
        %mul3A_237 = arith.constant 8 : i32
        %mul3A_238 = arith.muli %mul3A_237, %add3A_236 : i32
        %sub3A_239 = arith.constant 2040 : i32
        %sub3A_240 = arith.subi %sub3A_239, %mul3A_238 : i32
        %multiple_of3A = tpu.assume_multiple %sub3A_240, 8 : i32
        %add3A_241 = arith.constant 0 : i32
        %add3A_242 = arith.addi %multiple_of3A, %add3A_241 : i32
        %add3A_243 = arith.constant 128 : i32
        %add3A_244 = arith.addi %multiple_of3A, %add3A_243 : i32
        %add3A_245 = arith.constant 256 : i32
        %add3A_246 = arith.addi %multiple_of3A, %add3A_245 : i32
        %add3A_247 = arith.constant 384 : i32
        %add3A_248 = arith.addi %multiple_of3A, %add3A_247 : i32
        %add3A_249 = arith.constant 512 : i32
        %add3A_250 = arith.addi %multiple_of3A, %add3A_249 : i32
        %add3A_251 = arith.constant 640 : i32
        %add3A_252 = arith.addi %multiple_of3A, %add3A_251 : i32
        %add3A_253 = arith.constant 768 : i32
        %add3A_254 = arith.addi %multiple_of3A, %add3A_253 : i32
        %add3A_255 = arith.constant 896 : i32
        %add3A_256 = arith.addi %multiple_of3A, %add3A_255 : i32
        %add3A_257 = arith.constant 1024 : i32
        %add3A_258 = arith.addi %multiple_of3A, %add3A_257 : i32
        %add3A_259 = arith.constant 1152 : i32
        %add3A_260 = arith.addi %multiple_of3A, %add3A_259 : i32
        %add3A_261 = arith.constant 1280 : i32
        %add3A_262 = arith.addi %multiple_of3A, %add3A_261 : i32
        %add3A_263 = arith.constant 1408 : i32
        %add3A_264 = arith.addi %multiple_of3A, %add3A_263 : i32
        %add3A_265 = arith.constant 1536 : i32
        %add3A_266 = arith.addi %multiple_of3A, %add3A_265 : i32
        %add3A_267 = arith.constant 1664 : i32
        %add3A_268 = arith.addi %multiple_of3A, %add3A_267 : i32
        %add3A_269 = arith.constant 1792 : i32
        %add3A_270 = arith.addi %multiple_of3A, %add3A_269 : i32
        %add3A_271 = arith.constant 1920 : i32
        %add3A_272 = arith.addi %multiple_of3A, %add3A_271 : i32
        %dma_start3A_273 = arith.constant 0 : i32
        %dma_start3A_274 = arith.constant 0 : i32
        %dma_start3A_275 = tpu.memref_slice %arg4[%dma_start3A_274, %add3A_242] : memref<8x4096xf32, #tpu.memory_space<vmem>> -> memref<8x128xf32, #tpu.memory_space<vmem>>
        %dma_start3A_276 = arith.constant 0 : i32
        %dma_start3A_277 = arith.constant 0 : i32
        %dma_start3A_278 = tpu.memref_slice %arg3[%select_n3A, %add3A_236, %dma_start3A_273, %dma_start3A_276, %dma_start3A_277] : memref<16x256x16x8x128xf32, #tpu.memory_space<hbm>> -> memref<1x1x1x8x128xf32, #tpu.memory_space<hbm>>
        %dma_start3A_279 = tpu.memref_squeeze %dma_start3A_278 : memref<1x1x1x8x128xf32, #tpu.memory_space<hbm>> -> memref<8x128xf32, #tpu.memory_space<hbm>>
        %dma_start3A_280 = arith.constant 0 : i32
        %dma_start3A_281 = arith.constant 0 : i32
        %dma_start3A_282 = tpu.memref_slice %arg3[%select_n3A, %add3A_236, %dma_start3A_273, %dma_start3A_280, %dma_start3A_281] : memref<16x256x16x8x128xf32, #tpu.memory_space<hbm>> -> memref<1x1x1x8x128xf32, #tpu.memory_space<hbm>>
        %dma_start3A_283 = tpu.memref_squeeze %dma_start3A_282 : memref<1x1x1x8x128xf32, #tpu.memory_space<hbm>> -> memref<8x128xf32, #tpu.memory_space<hbm>>
        %dma_start3A_284 = arith.constant 0 : i32
        %dma_start3A_285 = tpu.memref_slice %arg4[%dma_start3A_284, %add3A_242] : memref<8x4096xf32, #tpu.memory_space<vmem>> -> memref<8x128xf32, #tpu.memory_space<vmem>>
        tpu.enqueue_dma source(%dma_start3A_285 : memref<8x128xf32, #tpu.memory_space<vmem>>) target(%dma_start3A_283 : memref<8x128xf32, #tpu.memory_space<hbm>>) target_semaphore(%arg5 : memref<!tpu.dma_semaphore, #tpu.memory_space<semaphore_mem>>)
        %dma_start3A_286 = arith.constant 1 : i32
        %dma_start3A_287 = arith.constant 0 : i32
        %dma_start3A_288 = tpu.memref_slice %arg4[%dma_start3A_287, %add3A_244] : memref<8x4096xf32, #tpu.memory_space<vmem>> -> memref<8x128xf32, #tpu.memory_space<vmem>>
        %dma_start3A_289 = arith.constant 0 : i32
        %dma_start3A_290 = arith.constant 0 : i32
        %dma_start3A_291 = tpu.memref_slice %arg3[%select_n3A, %add3A_236, %dma_start3A_286, %dma_start3A_289, %dma_start3A_290] : memref<16x256x16x8x128xf32, #tpu.memory_space<hbm>> -> memref<1x1x1x8x128xf32, #tpu.memory_space<hbm>>
        %dma_start3A_292 = tpu.memref_squeeze %dma_start3A_291 : memref<1x1x1x8x128xf32, #tpu.memory_space<hbm>> -> memref<8x128xf32, #tpu.memory_space<hbm>>
        %dma_start3A_293 = arith.constant 0 : i32
        %dma_start3A_294 = arith.constant 0 : i32
        %dma_start3A_295 = tpu.memref_slice %arg3[%select_n3A, %add3A_236, %dma_start3A_286, %dma_start3A_293, %dma_start3A_294] : memref<16x256x16x8x128xf32, #tpu.memory_space<hbm>> -> memref<1x1x1x8x128xf32, #tpu.memory_space<hbm>>
        %dma_start3A_296 = tpu.memref_squeeze %dma_start3A_295 : memref<1x1x1x8x128xf32, #tpu.memory_space<hbm>> -> memref<8x128xf32, #tpu.memory_space<hbm>>
        %dma_start3A_297 = arith.constant 0 : i32
        %dma_start3A_298 = tpu.memref_slice %arg4[%dma_start3A_297, %add3A_244] : memref<8x4096xf32, #tpu.memory_space<vmem>> -> memref<8x128xf32, #tpu.memory_space<vmem>>
        tpu.enqueue_dma source(%dma_start3A_298 : memref<8x128xf32, #tpu.memory_space<vmem>>) target(%dma_start3A_296 : memref<8x128xf32, #tpu.memory_space<hbm>>) target_semaphore(%arg5 : memref<!tpu.dma_semaphore, #tpu.memory_space<semaphore_mem>>)
        %dma_start3A_299 = arith.constant 2 : i32
        %dma_start3A_300 = arith.constant 0 : i32
        %dma_start3A_301 = tpu.memref_slice %arg4[%dma_start3A_300, %add3A_246] : memref<8x4096xf32, #tpu.memory_space<vmem>> -> memref<8x128xf32, #tpu.memory_space<vmem>>
        %dma_start3A_302 = arith.constant 0 : i32
        %dma_start3A_303 = arith.constant 0 : i32
        %dma_start3A_304 = tpu.memref_slice %arg3[%select_n3A, %add3A_236, %dma_start3A_299, %dma_start3A_302, %dma_start3A_303] : memref<16x256x16x8x128xf32, #tpu.memory_space<hbm>> -> memref<1x1x1x8x128xf32, #tpu.memory_space<hbm>>
        %dma_start3A_305 = tpu.memref_squeeze %dma_start3A_304 : memref<1x1x1x8x128xf32, #tpu.memory_space<hbm>> -> memref<8x128xf32, #tpu.memory_space<hbm>>
        %dma_start3A_306 = arith.constant 0 : i32
        %dma_start3A_307 = arith.constant 0 : i32
        %dma_start3A_308 = tpu.memref_slice %arg3[%select_n3A, %add3A_236, %dma_start3A_299, %dma_start3A_306, %dma_start3A_307] : memref<16x256x16x8x128xf32, #tpu.memory_space<hbm>> -> memref<1x1x1x8x128xf32, #tpu.memory_space<hbm>>
        %dma_start3A_309 = tpu.memref_squeeze %dma_start3A_308 : memref<1x1x1x8x128xf32, #tpu.memory_space<hbm>> -> memref<8x128xf32, #tpu.memory_space<hbm>>
        %dma_start3A_310 = arith.constant 0 : i32
        %dma_start3A_311 = tpu.memref_slice %arg4[%dma_start3A_310, %add3A_246] : memref<8x4096xf32, #tpu.memory_space<vmem>> -> memref<8x128xf32, #tpu.memory_space<vmem>>
        tpu.enqueue_dma source(%dma_start3A_311 : memref<8x128xf32, #tpu.memory_space<vmem>>) target(%dma_start3A_309 : memref<8x128xf32, #tpu.memory_space<hbm>>) target_semaphore(%arg5 : memref<!tpu.dma_semaphore, #tpu.memory_space<semaphore_mem>>)
        %dma_start3A_312 = arith.constant 3 : i32
        %dma_start3A_313 = arith.constant 0 : i32
        %dma_start3A_314 = tpu.memref_slice %arg4[%dma_start3A_313, %add3A_248] : memref<8x4096xf32, #tpu.memory_space<vmem>> -> memref<8x128xf32, #tpu.memory_space<vmem>>
        %dma_start3A_315 = arith.constant 0 : i32
        %dma_start3A_316 = arith.constant 0 : i32
        %dma_start3A_317 = tpu.memref_slice %arg3[%select_n3A, %add3A_236, %dma_start3A_312, %dma_start3A_315, %dma_start3A_316] : memref<16x256x16x8x128xf32, #tpu.memory_space<hbm>> -> memref<1x1x1x8x128xf32, #tpu.memory_space<hbm>>
        %dma_start3A_318 = tpu.memref_squeeze %dma_start3A_317 : memref<1x1x1x8x128xf32, #tpu.memory_space<hbm>> -> memref<8x128xf32, #tpu.memory_space<hbm>>
        %dma_start3A_319 = arith.constant 0 : i32
        %dma_start3A_320 = arith.constant 0 : i32
        %dma_start3A_321 = tpu.memref_slice %arg3[%select_n3A, %add3A_236, %dma_start3A_312, %dma_start3A_319, %dma_start3A_320] : memref<16x256x16x8x128xf32, #tpu.memory_space<hbm>> -> memref<1x1x1x8x128xf32, #tpu.memory_space<hbm>>
        %dma_start3A_322 = tpu.memref_squeeze %dma_start3A_321 : memref<1x1x1x8x128xf32, #tpu.memory_space<hbm>> -> memref<8x128xf32, #tpu.memory_space<hbm>>
        %dma_start3A_323 = arith.constant 0 : i32
        %dma_start3A_324 = tpu.memref_slice %arg4[%dma_start3A_323, %add3A_248] : memref<8x4096xf32, #tpu.memory_space<vmem>> -> memref<8x128xf32, #tpu.memory_space<vmem>>
        tpu.enqueue_dma source(%dma_start3A_324 : memref<8x128xf32, #tpu.memory_space<vmem>>) target(%dma_start3A_322 : memref<8x128xf32, #tpu.memory_space<hbm>>) target_semaphore(%arg5 : memref<!tpu.dma_semaphore, #tpu.memory_space<semaphore_mem>>)
        %dma_start3A_325 = arith.constant 4 : i32
        %dma_start3A_326 = arith.constant 0 : i32
        %dma_start3A_327 = tpu.memref_slice %arg4[%dma_start3A_326, %add3A_250] : memref<8x4096xf32, #tpu.memory_space<vmem>> -> memref<8x128xf32, #tpu.memory_space<vmem>>
        %dma_start3A_328 = arith.constant 0 : i32
        %dma_start3A_329 = arith.constant 0 : i32
        %dma_start3A_330 = tpu.memref_slice %arg3[%select_n3A, %add3A_236, %dma_start3A_325, %dma_start3A_328, %dma_start3A_329] : memref<16x256x16x8x128xf32, #tpu.memory_space<hbm>> -> memref<1x1x1x8x128xf32, #tpu.memory_space<hbm>>
        %dma_start3A_331 = tpu.memref_squeeze %dma_start3A_330 : memref<1x1x1x8x128xf32, #tpu.memory_space<hbm>> -> memref<8x128xf32, #tpu.memory_space<hbm>>
        %dma_start3A_332 = arith.constant 0 : i32
        %dma_start3A_333 = arith.constant 0 : i32
        %dma_start3A_334 = tpu.memref_slice %arg3[%select_n3A, %add3A_236, %dma_start3A_325, %dma_start3A_332, %dma_start3A_333] : memref<16x256x16x8x128xf32, #tpu.memory_space<hbm>> -> memref<1x1x1x8x128xf32, #tpu.memory_space<hbm>>
        %dma_start3A_335 = tpu.memref_squeeze %dma_start3A_334 : memref<1x1x1x8x128xf32, #tpu.memory_space<hbm>> -> memref<8x128xf32, #tpu.memory_space<hbm>>
        %dma_start3A_336 = arith.constant 0 : i32
        %dma_start3A_337 = tpu.memref_slice %arg4[%dma_start3A_336, %add3A_250] : memref<8x4096xf32, #tpu.memory_space<vmem>> -> memref<8x128xf32, #tpu.memory_space<vmem>>
        tpu.enqueue_dma source(%dma_start3A_337 : memref<8x128xf32, #tpu.memory_space<vmem>>) target(%dma_start3A_335 : memref<8x128xf32, #tpu.memory_space<hbm>>) target_semaphore(%arg5 : memref<!tpu.dma_semaphore, #tpu.memory_space<semaphore_mem>>)
        %dma_start3A_338 = arith.constant 5 : i32
        %dma_start3A_339 = arith.constant 0 : i32
        %dma_start3A_340 = tpu.memref_slice %arg4[%dma_start3A_339, %add3A_252] : memref<8x4096xf32, #tpu.memory_space<vmem>> -> memref<8x128xf32, #tpu.memory_space<vmem>>
        %dma_start3A_341 = arith.constant 0 : i32
        %dma_start3A_342 = arith.constant 0 : i32
        %dma_start3A_343 = tpu.memref_slice %arg3[%select_n3A, %add3A_236, %dma_start3A_338, %dma_start3A_341, %dma_start3A_342] : memref<16x256x16x8x128xf32, #tpu.memory_space<hbm>> -> memref<1x1x1x8x128xf32, #tpu.memory_space<hbm>>
        %dma_start3A_344 = tpu.memref_squeeze %dma_start3A_343 : memref<1x1x1x8x128xf32, #tpu.memory_space<hbm>> -> memref<8x128xf32, #tpu.memory_space<hbm>>
        %dma_start3A_345 = arith.constant 0 : i32
        %dma_start3A_346 = arith.constant 0 : i32
        %dma_start3A_347 = tpu.memref_slice %arg3[%select_n3A, %add3A_236, %dma_start3A_338, %dma_start3A_345, %dma_start3A_346] : memref<16x256x16x8x128xf32, #tpu.memory_space<hbm>> -> memref<1x1x1x8x128xf32, #tpu.memory_space<hbm>>
        %dma_start3A_348 = tpu.memref_squeeze %dma_start3A_347 : memref<1x1x1x8x128xf32, #tpu.memory_space<hbm>> -> memref<8x128xf32, #tpu.memory_space<hbm>>
        %dma_start3A_349 = arith.constant 0 : i32
        %dma_start3A_350 = tpu.memref_slice %arg4[%dma_start3A_349, %add3A_252] : memref<8x4096xf32, #tpu.memory_space<vmem>> -> memref<8x128xf32, #tpu.memory_space<vmem>>
        tpu.enqueue_dma source(%dma_start3A_350 : memref<8x128xf32, #tpu.memory_space<vmem>>) target(%dma_start3A_348 : memref<8x128xf32, #tpu.memory_space<hbm>>) target_semaphore(%arg5 : memref<!tpu.dma_semaphore, #tpu.memory_space<semaphore_mem>>)
        %dma_start3A_351 = arith.constant 6 : i32
        %dma_start3A_352 = arith.constant 0 : i32
        %dma_start3A_353 = tpu.memref_slice %arg4[%dma_start3A_352, %add3A_254] : memref<8x4096xf32, #tpu.memory_space<vmem>> -> memref<8x128xf32, #tpu.memory_space<vmem>>
        %dma_start3A_354 = arith.constant 0 : i32
        %dma_start3A_355 = arith.constant 0 : i32
        %dma_start3A_356 = tpu.memref_slice %arg3[%select_n3A, %add3A_236, %dma_start3A_351, %dma_start3A_354, %dma_start3A_355] : memref<16x256x16x8x128xf32, #tpu.memory_space<hbm>> -> memref<1x1x1x8x128xf32, #tpu.memory_space<hbm>>
        %dma_start3A_357 = tpu.memref_squeeze %dma_start3A_356 : memref<1x1x1x8x128xf32, #tpu.memory_space<hbm>> -> memref<8x128xf32, #tpu.memory_space<hbm>>
        %dma_start3A_358 = arith.constant 0 : i32
        %dma_start3A_359 = arith.constant 0 : i32
        %dma_start3A_360 = tpu.memref_slice %arg3[%select_n3A, %add3A_236, %dma_start3A_351, %dma_start3A_358, %dma_start3A_359] : memref<16x256x16x8x128xf32, #tpu.memory_space<hbm>> -> memref<1x1x1x8x128xf32, #tpu.memory_space<hbm>>
        %dma_start3A_361 = tpu.memref_squeeze %dma_start3A_360 : memref<1x1x1x8x128xf32, #tpu.memory_space<hbm>> -> memref<8x128xf32, #tpu.memory_space<hbm>>
        %dma_start3A_362 = arith.constant 0 : i32
        %dma_start3A_363 = tpu.memref_slice %arg4[%dma_start3A_362, %add3A_254] : memref<8x4096xf32, #tpu.memory_space<vmem>> -> memref<8x128xf32, #tpu.memory_space<vmem>>
        tpu.enqueue_dma source(%dma_start3A_363 : memref<8x128xf32, #tpu.memory_space<vmem>>) target(%dma_start3A_361 : memref<8x128xf32, #tpu.memory_space<hbm>>) target_semaphore(%arg5 : memref<!tpu.dma_semaphore, #tpu.memory_space<semaphore_mem>>)
        %dma_start3A_364 = arith.constant 7 : i32
        %dma_start3A_365 = arith.constant 0 : i32
        %dma_start3A_366 = tpu.memref_slice %arg4[%dma_start3A_365, %add3A_256] : memref<8x4096xf32, #tpu.memory_space<vmem>> -> memref<8x128xf32, #tpu.memory_space<vmem>>
        %dma_start3A_367 = arith.constant 0 : i32
        %dma_start3A_368 = arith.constant 0 : i32
        %dma_start3A_369 = tpu.memref_slice %arg3[%select_n3A, %add3A_236, %dma_start3A_364, %dma_start3A_367, %dma_start3A_368] : memref<16x256x16x8x128xf32, #tpu.memory_space<hbm>> -> memref<1x1x1x8x128xf32, #tpu.memory_space<hbm>>
        %dma_start3A_370 = tpu.memref_squeeze %dma_start3A_369 : memref<1x1x1x8x128xf32, #tpu.memory_space<hbm>> -> memref<8x128xf32, #tpu.memory_space<hbm>>
        %dma_start3A_371 = arith.constant 0 : i32
        %dma_start3A_372 = arith.constant 0 : i32
        %dma_start3A_373 = tpu.memref_slice %arg3[%select_n3A, %add3A_236, %dma_start3A_364, %dma_start3A_371, %dma_start3A_372] : memref<16x256x16x8x128xf32, #tpu.memory_space<hbm>> -> memref<1x1x1x8x128xf32, #tpu.memory_space<hbm>>
        %dma_start3A_374 = tpu.memref_squeeze %dma_start3A_373 : memref<1x1x1x8x128xf32, #tpu.memory_space<hbm>> -> memref<8x128xf32, #tpu.memory_space<hbm>>
        %dma_start3A_375 = arith.constant 0 : i32
        %dma_start3A_376 = tpu.memref_slice %arg4[%dma_start3A_375, %add3A_256] : memref<8x4096xf32, #tpu.memory_space<vmem>> -> memref<8x128xf32, #tpu.memory_space<vmem>>
        tpu.enqueue_dma source(%dma_start3A_376 : memref<8x128xf32, #tpu.memory_space<vmem>>) target(%dma_start3A_374 : memref<8x128xf32, #tpu.memory_space<hbm>>) target_semaphore(%arg5 : memref<!tpu.dma_semaphore, #tpu.memory_space<semaphore_mem>>)
        %dma_start3A_377 = arith.constant 8 : i32
        %dma_start3A_378 = arith.constant 0 : i32
        %dma_start3A_379 = tpu.memref_slice %arg4[%dma_start3A_378, %add3A_258] : memref<8x4096xf32, #tpu.memory_space<vmem>> -> memref<8x128xf32, #tpu.memory_space<vmem>>
        %dma_start3A_380 = arith.constant 0 : i32
        %dma_start3A_381 = arith.constant 0 : i32
        %dma_start3A_382 = tpu.memref_slice %arg3[%select_n3A, %add3A_236, %dma_start3A_377, %dma_start3A_380, %dma_start3A_381] : memref<16x256x16x8x128xf32, #tpu.memory_space<hbm>> -> memref<1x1x1x8x128xf32, #tpu.memory_space<hbm>>
        %dma_start3A_383 = tpu.memref_squeeze %dma_start3A_382 : memref<1x1x1x8x128xf32, #tpu.memory_space<hbm>> -> memref<8x128xf32, #tpu.memory_space<hbm>>
        %dma_start3A_384 = arith.constant 0 : i32
        %dma_start3A_385 = arith.constant 0 : i32
        %dma_start3A_386 = tpu.memref_slice %arg3[%select_n3A, %add3A_236, %dma_start3A_377, %dma_start3A_384, %dma_start3A_385] : memref<16x256x16x8x128xf32, #tpu.memory_space<hbm>> -> memref<1x1x1x8x128xf32, #tpu.memory_space<hbm>>
        %dma_start3A_387 = tpu.memref_squeeze %dma_start3A_386 : memref<1x1x1x8x128xf32, #tpu.memory_space<hbm>> -> memref<8x128xf32, #tpu.memory_space<hbm>>
        %dma_start3A_388 = arith.constant 0 : i32
        %dma_start3A_389 = tpu.memref_slice %arg4[%dma_start3A_388, %add3A_258] : memref<8x4096xf32, #tpu.memory_space<vmem>> -> memref<8x128xf32, #tpu.memory_space<vmem>>
        tpu.enqueue_dma source(%dma_start3A_389 : memref<8x128xf32, #tpu.memory_space<vmem>>) target(%dma_start3A_387 : memref<8x128xf32, #tpu.memory_space<hbm>>) target_semaphore(%arg5 : memref<!tpu.dma_semaphore, #tpu.memory_space<semaphore_mem>>)
        %dma_start3A_390 = arith.constant 9 : i32
        %dma_start3A_391 = arith.constant 0 : i32
        %dma_start3A_392 = tpu.memref_slice %arg4[%dma_start3A_391, %add3A_260] : memref<8x4096xf32, #tpu.memory_space<vmem>> -> memref<8x128xf32, #tpu.memory_space<vmem>>
        %dma_start3A_393 = arith.constant 0 : i32
        %dma_start3A_394 = arith.constant 0 : i32
        %dma_start3A_395 = tpu.memref_slice %arg3[%select_n3A, %add3A_236, %dma_start3A_390, %dma_start3A_393, %dma_start3A_394] : memref<16x256x16x8x128xf32, #tpu.memory_space<hbm>> -> memref<1x1x1x8x128xf32, #tpu.memory_space<hbm>>
        %dma_start3A_396 = tpu.memref_squeeze %dma_start3A_395 : memref<1x1x1x8x128xf32, #tpu.memory_space<hbm>> -> memref<8x128xf32, #tpu.memory_space<hbm>>
        %dma_start3A_397 = arith.constant 0 : i32
        %dma_start3A_398 = arith.constant 0 : i32
        %dma_start3A_399 = tpu.memref_slice %arg3[%select_n3A, %add3A_236, %dma_start3A_390, %dma_start3A_397, %dma_start3A_398] : memref<16x256x16x8x128xf32, #tpu.memory_space<hbm>> -> memref<1x1x1x8x128xf32, #tpu.memory_space<hbm>>
        %dma_start3A_400 = tpu.memref_squeeze %dma_start3A_399 : memref<1x1x1x8x128xf32, #tpu.memory_space<hbm>> -> memref<8x128xf32, #tpu.memory_space<hbm>>
        %dma_start3A_401 = arith.constant 0 : i32
        %dma_start3A_402 = tpu.memref_slice %arg4[%dma_start3A_401, %add3A_260] : memref<8x4096xf32, #tpu.memory_space<vmem>> -> memref<8x128xf32, #tpu.memory_space<vmem>>
        tpu.enqueue_dma source(%dma_start3A_402 : memref<8x128xf32, #tpu.memory_space<vmem>>) target(%dma_start3A_400 : memref<8x128xf32, #tpu.memory_space<hbm>>) target_semaphore(%arg5 : memref<!tpu.dma_semaphore, #tpu.memory_space<semaphore_mem>>)
        %dma_start3A_403 = arith.constant 10 : i32
        %dma_start3A_404 = arith.constant 0 : i32
        %dma_start3A_405 = tpu.memref_slice %arg4[%dma_start3A_404, %add3A_262] : memref<8x4096xf32, #tpu.memory_space<vmem>> -> memref<8x128xf32, #tpu.memory_space<vmem>>
        %dma_start3A_406 = arith.constant 0 : i32
        %dma_start3A_407 = arith.constant 0 : i32
        %dma_start3A_408 = tpu.memref_slice %arg3[%select_n3A, %add3A_236, %dma_start3A_403, %dma_start3A_406, %dma_start3A_407] : memref<16x256x16x8x128xf32, #tpu.memory_space<hbm>> -> memref<1x1x1x8x128xf32, #tpu.memory_space<hbm>>
        %dma_start3A_409 = tpu.memref_squeeze %dma_start3A_408 : memref<1x1x1x8x128xf32, #tpu.memory_space<hbm>> -> memref<8x128xf32, #tpu.memory_space<hbm>>
        %dma_start3A_410 = arith.constant 0 : i32
        %dma_start3A_411 = arith.constant 0 : i32
        %dma_start3A_412 = tpu.memref_slice %arg3[%select_n3A, %add3A_236, %dma_start3A_403, %dma_start3A_410, %dma_start3A_411] : memref<16x256x16x8x128xf32, #tpu.memory_space<hbm>> -> memref<1x1x1x8x128xf32, #tpu.memory_space<hbm>>
        %dma_start3A_413 = tpu.memref_squeeze %dma_start3A_412 : memref<1x1x1x8x128xf32, #tpu.memory_space<hbm>> -> memref<8x128xf32, #tpu.memory_space<hbm>>
        %dma_start3A_414 = arith.constant 0 : i32
        %dma_start3A_415 = tpu.memref_slice %arg4[%dma_start3A_414, %add3A_262] : memref<8x4096xf32, #tpu.memory_space<vmem>> -> memref<8x128xf32, #tpu.memory_space<vmem>>
        tpu.enqueue_dma source(%dma_start3A_415 : memref<8x128xf32, #tpu.memory_space<vmem>>) target(%dma_start3A_413 : memref<8x128xf32, #tpu.memory_space<hbm>>) target_semaphore(%arg5 : memref<!tpu.dma_semaphore, #tpu.memory_space<semaphore_mem>>)
        %dma_start3A_416 = arith.constant 11 : i32
        %dma_start3A_417 = arith.constant 0 : i32
        %dma_start3A_418 = tpu.memref_slice %arg4[%dma_start3A_417, %add3A_264] : memref<8x4096xf32, #tpu.memory_space<vmem>> -> memref<8x128xf32, #tpu.memory_space<vmem>>
        %dma_start3A_419 = arith.constant 0 : i32
        %dma_start3A_420 = arith.constant 0 : i32
        %dma_start3A_421 = tpu.memref_slice %arg3[%select_n3A, %add3A_236, %dma_start3A_416, %dma_start3A_419, %dma_start3A_420] : memref<16x256x16x8x128xf32, #tpu.memory_space<hbm>> -> memref<1x1x1x8x128xf32, #tpu.memory_space<hbm>>
        %dma_start3A_422 = tpu.memref_squeeze %dma_start3A_421 : memref<1x1x1x8x128xf32, #tpu.memory_space<hbm>> -> memref<8x128xf32, #tpu.memory_space<hbm>>
        %dma_start3A_423 = arith.constant 0 : i32
        %dma_start3A_424 = arith.constant 0 : i32
        %dma_start3A_425 = tpu.memref_slice %arg3[%select_n3A, %add3A_236, %dma_start3A_416, %dma_start3A_423, %dma_start3A_424] : memref<16x256x16x8x128xf32, #tpu.memory_space<hbm>> -> memref<1x1x1x8x128xf32, #tpu.memory_space<hbm>>
        %dma_start3A_426 = tpu.memref_squeeze %dma_start3A_425 : memref<1x1x1x8x128xf32, #tpu.memory_space<hbm>> -> memref<8x128xf32, #tpu.memory_space<hbm>>
        %dma_start3A_427 = arith.constant 0 : i32
        %dma_start3A_428 = tpu.memref_slice %arg4[%dma_start3A_427, %add3A_264] : memref<8x4096xf32, #tpu.memory_space<vmem>> -> memref<8x128xf32, #tpu.memory_space<vmem>>
        tpu.enqueue_dma source(%dma_start3A_428 : memref<8x128xf32, #tpu.memory_space<vmem>>) target(%dma_start3A_426 : memref<8x128xf32, #tpu.memory_space<hbm>>) target_semaphore(%arg5 : memref<!tpu.dma_semaphore, #tpu.memory_space<semaphore_mem>>)
        %dma_start3A_429 = arith.constant 12 : i32
        %dma_start3A_430 = arith.constant 0 : i32
        %dma_start3A_431 = tpu.memref_slice %arg4[%dma_start3A_430, %add3A_266] : memref<8x4096xf32, #tpu.memory_space<vmem>> -> memref<8x128xf32, #tpu.memory_space<vmem>>
        %dma_start3A_432 = arith.constant 0 : i32
        %dma_start3A_433 = arith.constant 0 : i32
        %dma_start3A_434 = tpu.memref_slice %arg3[%select_n3A, %add3A_236, %dma_start3A_429, %dma_start3A_432, %dma_start3A_433] : memref<16x256x16x8x128xf32, #tpu.memory_space<hbm>> -> memref<1x1x1x8x128xf32, #tpu.memory_space<hbm>>
        %dma_start3A_435 = tpu.memref_squeeze %dma_start3A_434 : memref<1x1x1x8x128xf32, #tpu.memory_space<hbm>> -> memref<8x128xf32, #tpu.memory_space<hbm>>
        %dma_start3A_436 = arith.constant 0 : i32
        %dma_start3A_437 = arith.constant 0 : i32
        %dma_start3A_438 = tpu.memref_slice %arg3[%select_n3A, %add3A_236, %dma_start3A_429, %dma_start3A_436, %dma_start3A_437] : memref<16x256x16x8x128xf32, #tpu.memory_space<hbm>> -> memref<1x1x1x8x128xf32, #tpu.memory_space<hbm>>
        %dma_start3A_439 = tpu.memref_squeeze %dma_start3A_438 : memref<1x1x1x8x128xf32, #tpu.memory_space<hbm>> -> memref<8x128xf32, #tpu.memory_space<hbm>>
        %dma_start3A_440 = arith.constant 0 : i32
        %dma_start3A_441 = tpu.memref_slice %arg4[%dma_start3A_440, %add3A_266] : memref<8x4096xf32, #tpu.memory_space<vmem>> -> memref<8x128xf32, #tpu.memory_space<vmem>>
        tpu.enqueue_dma source(%dma_start3A_441 : memref<8x128xf32, #tpu.memory_space<vmem>>) target(%dma_start3A_439 : memref<8x128xf32, #tpu.memory_space<hbm>>) target_semaphore(%arg5 : memref<!tpu.dma_semaphore, #tpu.memory_space<semaphore_mem>>)
        %dma_start3A_442 = arith.constant 13 : i32
        %dma_start3A_443 = arith.constant 0 : i32
        %dma_start3A_444 = tpu.memref_slice %arg4[%dma_start3A_443, %add3A_268] : memref<8x4096xf32, #tpu.memory_space<vmem>> -> memref<8x128xf32, #tpu.memory_space<vmem>>
        %dma_start3A_445 = arith.constant 0 : i32
        %dma_start3A_446 = arith.constant 0 : i32
        %dma_start3A_447 = tpu.memref_slice %arg3[%select_n3A, %add3A_236, %dma_start3A_442, %dma_start3A_445, %dma_start3A_446] : memref<16x256x16x8x128xf32, #tpu.memory_space<hbm>> -> memref<1x1x1x8x128xf32, #tpu.memory_space<hbm>>
        %dma_start3A_448 = tpu.memref_squeeze %dma_start3A_447 : memref<1x1x1x8x128xf32, #tpu.memory_space<hbm>> -> memref<8x128xf32, #tpu.memory_space<hbm>>
        %dma_start3A_449 = arith.constant 0 : i32
        %dma_start3A_450 = arith.constant 0 : i32
        %dma_start3A_451 = tpu.memref_slice %arg3[%select_n3A, %add3A_236, %dma_start3A_442, %dma_start3A_449, %dma_start3A_450] : memref<16x256x16x8x128xf32, #tpu.memory_space<hbm>> -> memref<1x1x1x8x128xf32, #tpu.memory_space<hbm>>
        %dma_start3A_452 = tpu.memref_squeeze %dma_start3A_451 : memref<1x1x1x8x128xf32, #tpu.memory_space<hbm>> -> memref<8x128xf32, #tpu.memory_space<hbm>>
        %dma_start3A_453 = arith.constant 0 : i32
        %dma_start3A_454 = tpu.memref_slice %arg4[%dma_start3A_453, %add3A_268] : memref<8x4096xf32, #tpu.memory_space<vmem>> -> memref<8x128xf32, #tpu.memory_space<vmem>>
        tpu.enqueue_dma source(%dma_start3A_454 : memref<8x128xf32, #tpu.memory_space<vmem>>) target(%dma_start3A_452 : memref<8x128xf32, #tpu.memory_space<hbm>>) target_semaphore(%arg5 : memref<!tpu.dma_semaphore, #tpu.memory_space<semaphore_mem>>)
        %dma_start3A_455 = arith.constant 14 : i32
        %dma_start3A_456 = arith.constant 0 : i32
        %dma_start3A_457 = tpu.memref_slice %arg4[%dma_start3A_456, %add3A_270] : memref<8x4096xf32, #tpu.memory_space<vmem>> -> memref<8x128xf32, #tpu.memory_space<vmem>>
        %dma_start3A_458 = arith.constant 0 : i32
        %dma_start3A_459 = arith.constant 0 : i32
        %dma_start3A_460 = tpu.memref_slice %arg3[%select_n3A, %add3A_236, %dma_start3A_455, %dma_start3A_458, %dma_start3A_459] : memref<16x256x16x8x128xf32, #tpu.memory_space<hbm>> -> memref<1x1x1x8x128xf32, #tpu.memory_space<hbm>>
        %dma_start3A_461 = tpu.memref_squeeze %dma_start3A_460 : memref<1x1x1x8x128xf32, #tpu.memory_space<hbm>> -> memref<8x128xf32, #tpu.memory_space<hbm>>
        %dma_start3A_462 = arith.constant 0 : i32
        %dma_start3A_463 = arith.constant 0 : i32
        %dma_start3A_464 = tpu.memref_slice %arg3[%select_n3A, %add3A_236, %dma_start3A_455, %dma_start3A_462, %dma_start3A_463] : memref<16x256x16x8x128xf32, #tpu.memory_space<hbm>> -> memref<1x1x1x8x128xf32, #tpu.memory_space<hbm>>
        %dma_start3A_465 = tpu.memref_squeeze %dma_start3A_464 : memref<1x1x1x8x128xf32, #tpu.memory_space<hbm>> -> memref<8x128xf32, #tpu.memory_space<hbm>>
        %dma_start3A_466 = arith.constant 0 : i32
        %dma_start3A_467 = tpu.memref_slice %arg4[%dma_start3A_466, %add3A_270] : memref<8x4096xf32, #tpu.memory_space<vmem>> -> memref<8x128xf32, #tpu.memory_space<vmem>>
        tpu.enqueue_dma source(%dma_start3A_467 : memref<8x128xf32, #tpu.memory_space<vmem>>) target(%dma_start3A_465 : memref<8x128xf32, #tpu.memory_space<hbm>>) target_semaphore(%arg5 : memref<!tpu.dma_semaphore, #tpu.memory_space<semaphore_mem>>)
        %dma_start3A_468 = arith.constant 15 : i32
        %dma_start3A_469 = arith.constant 0 : i32
        %dma_start3A_470 = tpu.memref_slice %arg4[%dma_start3A_469, %add3A_272] : memref<8x4096xf32, #tpu.memory_space<vmem>> -> memref<8x128xf32, #tpu.memory_space<vmem>>
        %dma_start3A_471 = arith.constant 0 : i32
        %dma_start3A_472 = arith.constant 0 : i32
        %dma_start3A_473 = tpu.memref_slice %arg3[%select_n3A, %add3A_236, %dma_start3A_468, %dma_start3A_471, %dma_start3A_472] : memref<16x256x16x8x128xf32, #tpu.memory_space<hbm>> -> memref<1x1x1x8x128xf32, #tpu.memory_space<hbm>>
        %dma_start3A_474 = tpu.memref_squeeze %dma_start3A_473 : memref<1x1x1x8x128xf32, #tpu.memory_space<hbm>> -> memref<8x128xf32, #tpu.memory_space<hbm>>
        %dma_start3A_475 = arith.constant 0 : i32
        %dma_start3A_476 = arith.constant 0 : i32
        %dma_start3A_477 = tpu.memref_slice %arg3[%select_n3A, %add3A_236, %dma_start3A_468, %dma_start3A_475, %dma_start3A_476] : memref<16x256x16x8x128xf32, #tpu.memory_space<hbm>> -> memref<1x1x1x8x128xf32, #tpu.memory_space<hbm>>
        %dma_start3A_478 = tpu.memref_squeeze %dma_start3A_477 : memref<1x1x1x8x128xf32, #tpu.memory_space<hbm>> -> memref<8x128xf32, #tpu.memory_space<hbm>>
        %dma_start3A_479 = arith.constant 0 : i32
        %dma_start3A_480 = tpu.memref_slice %arg4[%dma_start3A_479, %add3A_272] : memref<8x4096xf32, #tpu.memory_space<vmem>> -> memref<8x128xf32, #tpu.memory_space<vmem>>
        tpu.enqueue_dma source(%dma_start3A_480 : memref<8x128xf32, #tpu.memory_space<vmem>>) target(%dma_start3A_478 : memref<8x128xf32, #tpu.memory_space<hbm>>) target_semaphore(%arg5 : memref<!tpu.dma_semaphore, #tpu.memory_space<semaphore_mem>>)
      } else {
      }
      %ge3A = arith.constant 8 : i32
      %ge3A_232 = arith.cmpi sge, %scan3A_228, %ge3A : i32
      %convert_element_type3A_233 = arith.extui %ge3A_232 : i1 to i32
      %cond3A_234 = arith.constant 0 : i32
      %cond3A_235 = arith.cmpi ne, %convert_element_type3A_233, %cond3A_234 : i32
      scf.if %cond3A_235 {
        %sub3A_236 = arith.constant 8 : i32
        %sub3A_237 = arith.subi %scan3A_228, %sub3A_236 : i32
        %add3A_238 = arith.addi %mul3A_32, %sub3A_237 : i32
        %mul3A_239 = arith.constant 8 : i32
        %mul3A_240 = arith.muli %mul3A_239, %add3A_238 : i32
        %sub3A_241 = arith.constant 2040 : i32
        %sub3A_242 = arith.subi %sub3A_241, %mul3A_240 : i32
        %multiple_of3A = tpu.assume_multiple %sub3A_242, 8 : i32
        %add3A_243 = arith.constant 0 : i32
        %add3A_244 = arith.addi %multiple_of3A, %add3A_243 : i32
        %add3A_245 = arith.constant 128 : i32
        %add3A_246 = arith.addi %multiple_of3A, %add3A_245 : i32
        %add3A_247 = arith.constant 256 : i32
        %add3A_248 = arith.addi %multiple_of3A, %add3A_247 : i32
        %add3A_249 = arith.constant 384 : i32
        %add3A_250 = arith.addi %multiple_of3A, %add3A_249 : i32
        %add3A_251 = arith.constant 512 : i32
        %add3A_252 = arith.addi %multiple_of3A, %add3A_251 : i32
        %add3A_253 = arith.constant 640 : i32
        %add3A_254 = arith.addi %multiple_of3A, %add3A_253 : i32
        %add3A_255 = arith.constant 768 : i32
        %add3A_256 = arith.addi %multiple_of3A, %add3A_255 : i32
        %add3A_257 = arith.constant 896 : i32
        %add3A_258 = arith.addi %multiple_of3A, %add3A_257 : i32
        %add3A_259 = arith.constant 1024 : i32
        %add3A_260 = arith.addi %multiple_of3A, %add3A_259 : i32
        %add3A_261 = arith.constant 1152 : i32
        %add3A_262 = arith.addi %multiple_of3A, %add3A_261 : i32
        %add3A_263 = arith.constant 1280 : i32
        %add3A_264 = arith.addi %multiple_of3A, %add3A_263 : i32
        %add3A_265 = arith.constant 1408 : i32
        %add3A_266 = arith.addi %multiple_of3A, %add3A_265 : i32
        %add3A_267 = arith.constant 1536 : i32
        %add3A_268 = arith.addi %multiple_of3A, %add3A_267 : i32
        %add3A_269 = arith.constant 1664 : i32
        %add3A_270 = arith.addi %multiple_of3A, %add3A_269 : i32
        %add3A_271 = arith.constant 1792 : i32
        %add3A_272 = arith.addi %multiple_of3A, %add3A_271 : i32
        %add3A_273 = arith.constant 1920 : i32
        %add3A_274 = arith.addi %multiple_of3A, %add3A_273 : i32
        %dma_wait3A_275 = arith.constant 0 : i32
        %dma_wait3A_276 = arith.constant 0 : i32
        %dma_wait3A_277 = tpu.memref_slice %arg4[%dma_wait3A_276, %add3A_244] : memref<8x4096xf32, #tpu.memory_space<vmem>> -> memref<8x128xf32, #tpu.memory_space<vmem>>
        %dma_wait3A_278 = arith.constant 0 : i32
        %dma_wait3A_279 = arith.constant 0 : i32
        %dma_wait3A_280 = tpu.memref_slice %arg3[%select_n3A, %add3A_238, %dma_wait3A_275, %dma_wait3A_278, %dma_wait3A_279] : memref<16x256x16x8x128xf32, #tpu.memory_space<hbm>> -> memref<1x1x1x8x128xf32, #tpu.memory_space<hbm>>
        %dma_wait3A_281 = tpu.memref_squeeze %dma_wait3A_280 : memref<1x1x1x8x128xf32, #tpu.memory_space<hbm>> -> memref<8x128xf32, #tpu.memory_space<hbm>>
        %dma_wait3A_282 = arith.constant 0 : i32
        %dma_wait3A_283 = arith.constant 0 : i32
        %dma_wait3A_284 = tpu.memref_slice %arg3[%select_n3A, %add3A_238, %dma_wait3A_275, %dma_wait3A_282, %dma_wait3A_283] : memref<16x256x16x8x128xf32, #tpu.memory_space<hbm>> -> memref<1x1x1x8x128xf32, #tpu.memory_space<hbm>>
        %dma_wait3A_285 = tpu.memref_squeeze %dma_wait3A_284 : memref<1x1x1x8x128xf32, #tpu.memory_space<hbm>> -> memref<8x128xf32, #tpu.memory_space<hbm>>
        %dma_wait3A_286 = arith.constant 0 : i32
        %dma_wait3A_287 = tpu.memref_slice %arg4[%dma_wait3A_286, %add3A_244] : memref<8x4096xf32, #tpu.memory_space<vmem>> -> memref<8x128xf32, #tpu.memory_space<vmem>>
        tpu.wait_dma2 semaphore(%arg5 : memref<!tpu.dma_semaphore, #tpu.memory_space<semaphore_mem>>) src(%dma_wait3A_287 : memref<8x128xf32, #tpu.memory_space<vmem>>) dst(%dma_wait3A_285 : memref<8x128xf32, #tpu.memory_space<hbm>>)
        %dma_wait3A_288 = arith.constant 1 : i32
        %dma_wait3A_289 = arith.constant 0 : i32
        %dma_wait3A_290 = tpu.memref_slice %arg4[%dma_wait3A_289, %add3A_246] : memref<8x4096xf32, #tpu.memory_space<vmem>> -> memref<8x128xf32, #tpu.memory_space<vmem>>
        %dma_wait3A_291 = arith.constant 0 : i32
        %dma_wait3A_292 = arith.constant 0 : i32
        %dma_wait3A_293 = tpu.memref_slice %arg3[%select_n3A, %add3A_238, %dma_wait3A_288, %dma_wait3A_291, %dma_wait3A_292] : memref<16x256x16x8x128xf32, #tpu.memory_space<hbm>> -> memref<1x1x1x8x128xf32, #tpu.memory_space<hbm>>
        %dma_wait3A_294 = tpu.memref_squeeze %dma_wait3A_293 : memref<1x1x1x8x128xf32, #tpu.memory_space<hbm>> -> memref<8x128xf32, #tpu.memory_space<hbm>>
        %dma_wait3A_295 = arith.constant 0 : i32
        %dma_wait3A_296 = arith.constant 0 : i32
        %dma_wait3A_297 = tpu.memref_slice %arg3[%select_n3A, %add3A_238, %dma_wait3A_288, %dma_wait3A_295, %dma_wait3A_296] : memref<16x256x16x8x128xf32, #tpu.memory_space<hbm>> -> memref<1x1x1x8x128xf32, #tpu.memory_space<hbm>>
        %dma_wait3A_298 = tpu.memref_squeeze %dma_wait3A_297 : memref<1x1x1x8x128xf32, #tpu.memory_space<hbm>> -> memref<8x128xf32, #tpu.memory_space<hbm>>
        %dma_wait3A_299 = arith.constant 0 : i32
        %dma_wait3A_300 = tpu.memref_slice %arg4[%dma_wait3A_299, %add3A_246] : memref<8x4096xf32, #tpu.memory_space<vmem>> -> memref<8x128xf32, #tpu.memory_space<vmem>>
        tpu.wait_dma2 semaphore(%arg5 : memref<!tpu.dma_semaphore, #tpu.memory_space<semaphore_mem>>) src(%dma_wait3A_300 : memref<8x128xf32, #tpu.memory_space<vmem>>) dst(%dma_wait3A_298 : memref<8x128xf32, #tpu.memory_space<hbm>>)
        %dma_wait3A_301 = arith.constant 2 : i32
        %dma_wait3A_302 = arith.constant 0 : i32
        %dma_wait3A_303 = tpu.memref_slice %arg4[%dma_wait3A_302, %add3A_248] : memref<8x4096xf32, #tpu.memory_space<vmem>> -> memref<8x128xf32, #tpu.memory_space<vmem>>
        %dma_wait3A_304 = arith.constant 0 : i32
        %dma_wait3A_305 = arith.constant 0 : i32
        %dma_wait3A_306 = tpu.memref_slice %arg3[%select_n3A, %add3A_238, %dma_wait3A_301, %dma_wait3A_304, %dma_wait3A_305] : memref<16x256x16x8x128xf32, #tpu.memory_space<hbm>> -> memref<1x1x1x8x128xf32, #tpu.memory_space<hbm>>
        %dma_wait3A_307 = tpu.memref_squeeze %dma_wait3A_306 : memref<1x1x1x8x128xf32, #tpu.memory_space<hbm>> -> memref<8x128xf32, #tpu.memory_space<hbm>>
        %dma_wait3A_308 = arith.constant 0 : i32
        %dma_wait3A_309 = arith.constant 0 : i32
        %dma_wait3A_310 = tpu.memref_slice %arg3[%select_n3A, %add3A_238, %dma_wait3A_301, %dma_wait3A_308, %dma_wait3A_309] : memref<16x256x16x8x128xf32, #tpu.memory_space<hbm>> -> memref<1x1x1x8x128xf32, #tpu.memory_space<hbm>>
        %dma_wait3A_311 = tpu.memref_squeeze %dma_wait3A_310 : memref<1x1x1x8x128xf32, #tpu.memory_space<hbm>> -> memref<8x128xf32, #tpu.memory_space<hbm>>
        %dma_wait3A_312 = arith.constant 0 : i32
        %dma_wait3A_313 = tpu.memref_slice %arg4[%dma_wait3A_312, %add3A_248] : memref<8x4096xf32, #tpu.memory_space<vmem>> -> memref<8x128xf32, #tpu.memory_space<vmem>>
        tpu.wait_dma2 semaphore(%arg5 : memref<!tpu.dma_semaphore, #tpu.memory_space<semaphore_mem>>) src(%dma_wait3A_313 : memref<8x128xf32, #tpu.memory_space<vmem>>) dst(%dma_wait3A_311 : memref<8x128xf32, #tpu.memory_space<hbm>>)
        %dma_wait3A_314 = arith.constant 3 : i32
        %dma_wait3A_315 = arith.constant 0 : i32
        %dma_wait3A_316 = tpu.memref_slice %arg4[%dma_wait3A_315, %add3A_250] : memref<8x4096xf32, #tpu.memory_space<vmem>> -> memref<8x128xf32, #tpu.memory_space<vmem>>
        %dma_wait3A_317 = arith.constant 0 : i32
        %dma_wait3A_318 = arith.constant 0 : i32
        %dma_wait3A_319 = tpu.memref_slice %arg3[%select_n3A, %add3A_238, %dma_wait3A_314, %dma_wait3A_317, %dma_wait3A_318] : memref<16x256x16x8x128xf32, #tpu.memory_space<hbm>> -> memref<1x1x1x8x128xf32, #tpu.memory_space<hbm>>
        %dma_wait3A_320 = tpu.memref_squeeze %dma_wait3A_319 : memref<1x1x1x8x128xf32, #tpu.memory_space<hbm>> -> memref<8x128xf32, #tpu.memory_space<hbm>>
        %dma_wait3A_321 = arith.constant 0 : i32
        %dma_wait3A_322 = arith.constant 0 : i32
        %dma_wait3A_323 = tpu.memref_slice %arg3[%select_n3A, %add3A_238, %dma_wait3A_314, %dma_wait3A_321, %dma_wait3A_322] : memref<16x256x16x8x128xf32, #tpu.memory_space<hbm>> -> memref<1x1x1x8x128xf32, #tpu.memory_space<hbm>>
        %dma_wait3A_324 = tpu.memref_squeeze %dma_wait3A_323 : memref<1x1x1x8x128xf32, #tpu.memory_space<hbm>> -> memref<8x128xf32, #tpu.memory_space<hbm>>
        %dma_wait3A_325 = arith.constant 0 : i32
        %dma_wait3A_326 = tpu.memref_slice %arg4[%dma_wait3A_325, %add3A_250] : memref<8x4096xf32, #tpu.memory_space<vmem>> -> memref<8x128xf32, #tpu.memory_space<vmem>>
        tpu.wait_dma2 semaphore(%arg5 : memref<!tpu.dma_semaphore, #tpu.memory_space<semaphore_mem>>) src(%dma_wait3A_326 : memref<8x128xf32, #tpu.memory_space<vmem>>) dst(%dma_wait3A_324 : memref<8x128xf32, #tpu.memory_space<hbm>>)
        %dma_wait3A_327 = arith.constant 4 : i32
        %dma_wait3A_328 = arith.constant 0 : i32
        %dma_wait3A_329 = tpu.memref_slice %arg4[%dma_wait3A_328, %add3A_252] : memref<8x4096xf32, #tpu.memory_space<vmem>> -> memref<8x128xf32, #tpu.memory_space<vmem>>
        %dma_wait3A_330 = arith.constant 0 : i32
        %dma_wait3A_331 = arith.constant 0 : i32
        %dma_wait3A_332 = tpu.memref_slice %arg3[%select_n3A, %add3A_238, %dma_wait3A_327, %dma_wait3A_330, %dma_wait3A_331] : memref<16x256x16x8x128xf32, #tpu.memory_space<hbm>> -> memref<1x1x1x8x128xf32, #tpu.memory_space<hbm>>
        %dma_wait3A_333 = tpu.memref_squeeze %dma_wait3A_332 : memref<1x1x1x8x128xf32, #tpu.memory_space<hbm>> -> memref<8x128xf32, #tpu.memory_space<hbm>>
        %dma_wait3A_334 = arith.constant 0 : i32
        %dma_wait3A_335 = arith.constant 0 : i32
        %dma_wait3A_336 = tpu.memref_slice %arg3[%select_n3A, %add3A_238, %dma_wait3A_327, %dma_wait3A_334, %dma_wait3A_335] : memref<16x256x16x8x128xf32, #tpu.memory_space<hbm>> -> memref<1x1x1x8x128xf32, #tpu.memory_space<hbm>>
        %dma_wait3A_337 = tpu.memref_squeeze %dma_wait3A_336 : memref<1x1x1x8x128xf32, #tpu.memory_space<hbm>> -> memref<8x128xf32, #tpu.memory_space<hbm>>
        %dma_wait3A_338 = arith.constant 0 : i32
        %dma_wait3A_339 = tpu.memref_slice %arg4[%dma_wait3A_338, %add3A_252] : memref<8x4096xf32, #tpu.memory_space<vmem>> -> memref<8x128xf32, #tpu.memory_space<vmem>>
        tpu.wait_dma2 semaphore(%arg5 : memref<!tpu.dma_semaphore, #tpu.memory_space<semaphore_mem>>) src(%dma_wait3A_339 : memref<8x128xf32, #tpu.memory_space<vmem>>) dst(%dma_wait3A_337 : memref<8x128xf32, #tpu.memory_space<hbm>>)
        %dma_wait3A_340 = arith.constant 5 : i32
        %dma_wait3A_341 = arith.constant 0 : i32
        %dma_wait3A_342 = tpu.memref_slice %arg4[%dma_wait3A_341, %add3A_254] : memref<8x4096xf32, #tpu.memory_space<vmem>> -> memref<8x128xf32, #tpu.memory_space<vmem>>
        %dma_wait3A_343 = arith.constant 0 : i32
        %dma_wait3A_344 = arith.constant 0 : i32
        %dma_wait3A_345 = tpu.memref_slice %arg3[%select_n3A, %add3A_238, %dma_wait3A_340, %dma_wait3A_343, %dma_wait3A_344] : memref<16x256x16x8x128xf32, #tpu.memory_space<hbm>> -> memref<1x1x1x8x128xf32, #tpu.memory_space<hbm>>
        %dma_wait3A_346 = tpu.memref_squeeze %dma_wait3A_345 : memref<1x1x1x8x128xf32, #tpu.memory_space<hbm>> -> memref<8x128xf32, #tpu.memory_space<hbm>>
        %dma_wait3A_347 = arith.constant 0 : i32
        %dma_wait3A_348 = arith.constant 0 : i32
        %dma_wait3A_349 = tpu.memref_slice %arg3[%select_n3A, %add3A_238, %dma_wait3A_340, %dma_wait3A_347, %dma_wait3A_348] : memref<16x256x16x8x128xf32, #tpu.memory_space<hbm>> -> memref<1x1x1x8x128xf32, #tpu.memory_space<hbm>>
        %dma_wait3A_350 = tpu.memref_squeeze %dma_wait3A_349 : memref<1x1x1x8x128xf32, #tpu.memory_space<hbm>> -> memref<8x128xf32, #tpu.memory_space<hbm>>
        %dma_wait3A_351 = arith.constant 0 : i32
        %dma_wait3A_352 = tpu.memref_slice %arg4[%dma_wait3A_351, %add3A_254] : memref<8x4096xf32, #tpu.memory_space<vmem>> -> memref<8x128xf32, #tpu.memory_space<vmem>>
        tpu.wait_dma2 semaphore(%arg5 : memref<!tpu.dma_semaphore, #tpu.memory_space<semaphore_mem>>) src(%dma_wait3A_352 : memref<8x128xf32, #tpu.memory_space<vmem>>) dst(%dma_wait3A_350 : memref<8x128xf32, #tpu.memory_space<hbm>>)
        %dma_wait3A_353 = arith.constant 6 : i32
        %dma_wait3A_354 = arith.constant 0 : i32
        %dma_wait3A_355 = tpu.memref_slice %arg4[%dma_wait3A_354, %add3A_256] : memref<8x4096xf32, #tpu.memory_space<vmem>> -> memref<8x128xf32, #tpu.memory_space<vmem>>
        %dma_wait3A_356 = arith.constant 0 : i32
        %dma_wait3A_357 = arith.constant 0 : i32
        %dma_wait3A_358 = tpu.memref_slice %arg3[%select_n3A, %add3A_238, %dma_wait3A_353, %dma_wait3A_356, %dma_wait3A_357] : memref<16x256x16x8x128xf32, #tpu.memory_space<hbm>> -> memref<1x1x1x8x128xf32, #tpu.memory_space<hbm>>
        %dma_wait3A_359 = tpu.memref_squeeze %dma_wait3A_358 : memref<1x1x1x8x128xf32, #tpu.memory_space<hbm>> -> memref<8x128xf32, #tpu.memory_space<hbm>>
        %dma_wait3A_360 = arith.constant 0 : i32
        %dma_wait3A_361 = arith.constant 0 : i32
        %dma_wait3A_362 = tpu.memref_slice %arg3[%select_n3A, %add3A_238, %dma_wait3A_353, %dma_wait3A_360, %dma_wait3A_361] : memref<16x256x16x8x128xf32, #tpu.memory_space<hbm>> -> memref<1x1x1x8x128xf32, #tpu.memory_space<hbm>>
        %dma_wait3A_363 = tpu.memref_squeeze %dma_wait3A_362 : memref<1x1x1x8x128xf32, #tpu.memory_space<hbm>> -> memref<8x128xf32, #tpu.memory_space<hbm>>
        %dma_wait3A_364 = arith.constant 0 : i32
        %dma_wait3A_365 = tpu.memref_slice %arg4[%dma_wait3A_364, %add3A_256] : memref<8x4096xf32, #tpu.memory_space<vmem>> -> memref<8x128xf32, #tpu.memory_space<vmem>>
        tpu.wait_dma2 semaphore(%arg5 : memref<!tpu.dma_semaphore, #tpu.memory_space<semaphore_mem>>) src(%dma_wait3A_365 : memref<8x128xf32, #tpu.memory_space<vmem>>) dst(%dma_wait3A_363 : memref<8x128xf32, #tpu.memory_space<hbm>>)
        %dma_wait3A_366 = arith.constant 7 : i32
        %dma_wait3A_367 = arith.constant 0 : i32
        %dma_wait3A_368 = tpu.memref_slice %arg4[%dma_wait3A_367, %add3A_258] : memref<8x4096xf32, #tpu.memory_space<vmem>> -> memref<8x128xf32, #tpu.memory_space<vmem>>
        %dma_wait3A_369 = arith.constant 0 : i32
        %dma_wait3A_370 = arith.constant 0 : i32
        %dma_wait3A_371 = tpu.memref_slice %arg3[%select_n3A, %add3A_238, %dma_wait3A_366, %dma_wait3A_369, %dma_wait3A_370] : memref<16x256x16x8x128xf32, #tpu.memory_space<hbm>> -> memref<1x1x1x8x128xf32, #tpu.memory_space<hbm>>
        %dma_wait3A_372 = tpu.memref_squeeze %dma_wait3A_371 : memref<1x1x1x8x128xf32, #tpu.memory_space<hbm>> -> memref<8x128xf32, #tpu.memory_space<hbm>>
        %dma_wait3A_373 = arith.constant 0 : i32
        %dma_wait3A_374 = arith.constant 0 : i32
        %dma_wait3A_375 = tpu.memref_slice %arg3[%select_n3A, %add3A_238, %dma_wait3A_366, %dma_wait3A_373, %dma_wait3A_374] : memref<16x256x16x8x128xf32, #tpu.memory_space<hbm>> -> memref<1x1x1x8x128xf32, #tpu.memory_space<hbm>>
        %dma_wait3A_376 = tpu.memref_squeeze %dma_wait3A_375 : memref<1x1x1x8x128xf32, #tpu.memory_space<hbm>> -> memref<8x128xf32, #tpu.memory_space<hbm>>
        %dma_wait3A_377 = arith.constant 0 : i32
        %dma_wait3A_378 = tpu.memref_slice %arg4[%dma_wait3A_377, %add3A_258] : memref<8x4096xf32, #tpu.memory_space<vmem>> -> memref<8x128xf32, #tpu.memory_space<vmem>>
        tpu.wait_dma2 semaphore(%arg5 : memref<!tpu.dma_semaphore, #tpu.memory_space<semaphore_mem>>) src(%dma_wait3A_378 : memref<8x128xf32, #tpu.memory_space<vmem>>) dst(%dma_wait3A_376 : memref<8x128xf32, #tpu.memory_space<hbm>>)
        %dma_wait3A_379 = arith.constant 8 : i32
        %dma_wait3A_380 = arith.constant 0 : i32
        %dma_wait3A_381 = tpu.memref_slice %arg4[%dma_wait3A_380, %add3A_260] : memref<8x4096xf32, #tpu.memory_space<vmem>> -> memref<8x128xf32, #tpu.memory_space<vmem>>
        %dma_wait3A_382 = arith.constant 0 : i32
        %dma_wait3A_383 = arith.constant 0 : i32
        %dma_wait3A_384 = tpu.memref_slice %arg3[%select_n3A, %add3A_238, %dma_wait3A_379, %dma_wait3A_382, %dma_wait3A_383] : memref<16x256x16x8x128xf32, #tpu.memory_space<hbm>> -> memref<1x1x1x8x128xf32, #tpu.memory_space<hbm>>
        %dma_wait3A_385 = tpu.memref_squeeze %dma_wait3A_384 : memref<1x1x1x8x128xf32, #tpu.memory_space<hbm>> -> memref<8x128xf32, #tpu.memory_space<hbm>>
        %dma_wait3A_386 = arith.constant 0 : i32
        %dma_wait3A_387 = arith.constant 0 : i32
        %dma_wait3A_388 = tpu.memref_slice %arg3[%select_n3A, %add3A_238, %dma_wait3A_379, %dma_wait3A_386, %dma_wait3A_387] : memref<16x256x16x8x128xf32, #tpu.memory_space<hbm>> -> memref<1x1x1x8x128xf32, #tpu.memory_space<hbm>>
        %dma_wait3A_389 = tpu.memref_squeeze %dma_wait3A_388 : memref<1x1x1x8x128xf32, #tpu.memory_space<hbm>> -> memref<8x128xf32, #tpu.memory_space<hbm>>
        %dma_wait3A_390 = arith.constant 0 : i32
        %dma_wait3A_391 = tpu.memref_slice %arg4[%dma_wait3A_390, %add3A_260] : memref<8x4096xf32, #tpu.memory_space<vmem>> -> memref<8x128xf32, #tpu.memory_space<vmem>>
        tpu.wait_dma2 semaphore(%arg5 : memref<!tpu.dma_semaphore, #tpu.memory_space<semaphore_mem>>) src(%dma_wait3A_391 : memref<8x128xf32, #tpu.memory_space<vmem>>) dst(%dma_wait3A_389 : memref<8x128xf32, #tpu.memory_space<hbm>>)
        %dma_wait3A_392 = arith.constant 9 : i32
        %dma_wait3A_393 = arith.constant 0 : i32
        %dma_wait3A_394 = tpu.memref_slice %arg4[%dma_wait3A_393, %add3A_262] : memref<8x4096xf32, #tpu.memory_space<vmem>> -> memref<8x128xf32, #tpu.memory_space<vmem>>
        %dma_wait3A_395 = arith.constant 0 : i32
        %dma_wait3A_396 = arith.constant 0 : i32
        %dma_wait3A_397 = tpu.memref_slice %arg3[%select_n3A, %add3A_238, %dma_wait3A_392, %dma_wait3A_395, %dma_wait3A_396] : memref<16x256x16x8x128xf32, #tpu.memory_space<hbm>> -> memref<1x1x1x8x128xf32, #tpu.memory_space<hbm>>
        %dma_wait3A_398 = tpu.memref_squeeze %dma_wait3A_397 : memref<1x1x1x8x128xf32, #tpu.memory_space<hbm>> -> memref<8x128xf32, #tpu.memory_space<hbm>>
        %dma_wait3A_399 = arith.constant 0 : i32
        %dma_wait3A_400 = arith.constant 0 : i32
        %dma_wait3A_401 = tpu.memref_slice %arg3[%select_n3A, %add3A_238, %dma_wait3A_392, %dma_wait3A_399, %dma_wait3A_400] : memref<16x256x16x8x128xf32, #tpu.memory_space<hbm>> -> memref<1x1x1x8x128xf32, #tpu.memory_space<hbm>>
        %dma_wait3A_402 = tpu.memref_squeeze %dma_wait3A_401 : memref<1x1x1x8x128xf32, #tpu.memory_space<hbm>> -> memref<8x128xf32, #tpu.memory_space<hbm>>
        %dma_wait3A_403 = arith.constant 0 : i32
        %dma_wait3A_404 = tpu.memref_slice %arg4[%dma_wait3A_403, %add3A_262] : memref<8x4096xf32, #tpu.memory_space<vmem>> -> memref<8x128xf32, #tpu.memory_space<vmem>>
        tpu.wait_dma2 semaphore(%arg5 : memref<!tpu.dma_semaphore, #tpu.memory_space<semaphore_mem>>) src(%dma_wait3A_404 : memref<8x128xf32, #tpu.memory_space<vmem>>) dst(%dma_wait3A_402 : memref<8x128xf32, #tpu.memory_space<hbm>>)
        %dma_wait3A_405 = arith.constant 10 : i32
        %dma_wait3A_406 = arith.constant 0 : i32
        %dma_wait3A_407 = tpu.memref_slice %arg4[%dma_wait3A_406, %add3A_264] : memref<8x4096xf32, #tpu.memory_space<vmem>> -> memref<8x128xf32, #tpu.memory_space<vmem>>
        %dma_wait3A_408 = arith.constant 0 : i32
        %dma_wait3A_409 = arith.constant 0 : i32
        %dma_wait3A_410 = tpu.memref_slice %arg3[%select_n3A, %add3A_238, %dma_wait3A_405, %dma_wait3A_408, %dma_wait3A_409] : memref<16x256x16x8x128xf32, #tpu.memory_space<hbm>> -> memref<1x1x1x8x128xf32, #tpu.memory_space<hbm>>
        %dma_wait3A_411 = tpu.memref_squeeze %dma_wait3A_410 : memref<1x1x1x8x128xf32, #tpu.memory_space<hbm>> -> memref<8x128xf32, #tpu.memory_space<hbm>>
        %dma_wait3A_412 = arith.constant 0 : i32
        %dma_wait3A_413 = arith.constant 0 : i32
        %dma_wait3A_414 = tpu.memref_slice %arg3[%select_n3A, %add3A_238, %dma_wait3A_405, %dma_wait3A_412, %dma_wait3A_413] : memref<16x256x16x8x128xf32, #tpu.memory_space<hbm>> -> memref<1x1x1x8x128xf32, #tpu.memory_space<hbm>>
        %dma_wait3A_415 = tpu.memref_squeeze %dma_wait3A_414 : memref<1x1x1x8x128xf32, #tpu.memory_space<hbm>> -> memref<8x128xf32, #tpu.memory_space<hbm>>
        %dma_wait3A_416 = arith.constant 0 : i32
        %dma_wait3A_417 = tpu.memref_slice %arg4[%dma_wait3A_416, %add3A_264] : memref<8x4096xf32, #tpu.memory_space<vmem>> -> memref<8x128xf32, #tpu.memory_space<vmem>>
        tpu.wait_dma2 semaphore(%arg5 : memref<!tpu.dma_semaphore, #tpu.memory_space<semaphore_mem>>) src(%dma_wait3A_417 : memref<8x128xf32, #tpu.memory_space<vmem>>) dst(%dma_wait3A_415 : memref<8x128xf32, #tpu.memory_space<hbm>>)
        %dma_wait3A_418 = arith.constant 11 : i32
        %dma_wait3A_419 = arith.constant 0 : i32
        %dma_wait3A_420 = tpu.memref_slice %arg4[%dma_wait3A_419, %add3A_266] : memref<8x4096xf32, #tpu.memory_space<vmem>> -> memref<8x128xf32, #tpu.memory_space<vmem>>
        %dma_wait3A_421 = arith.constant 0 : i32
        %dma_wait3A_422 = arith.constant 0 : i32
        %dma_wait3A_423 = tpu.memref_slice %arg3[%select_n3A, %add3A_238, %dma_wait3A_418, %dma_wait3A_421, %dma_wait3A_422] : memref<16x256x16x8x128xf32, #tpu.memory_space<hbm>> -> memref<1x1x1x8x128xf32, #tpu.memory_space<hbm>>
        %dma_wait3A_424 = tpu.memref_squeeze %dma_wait3A_423 : memref<1x1x1x8x128xf32, #tpu.memory_space<hbm>> -> memref<8x128xf32, #tpu.memory_space<hbm>>
        %dma_wait3A_425 = arith.constant 0 : i32
        %dma_wait3A_426 = arith.constant 0 : i32
        %dma_wait3A_427 = tpu.memref_slice %arg3[%select_n3A, %add3A_238, %dma_wait3A_418, %dma_wait3A_425, %dma_wait3A_426] : memref<16x256x16x8x128xf32, #tpu.memory_space<hbm>> -> memref<1x1x1x8x128xf32, #tpu.memory_space<hbm>>
        %dma_wait3A_428 = tpu.memref_squeeze %dma_wait3A_427 : memref<1x1x1x8x128xf32, #tpu.memory_space<hbm>> -> memref<8x128xf32, #tpu.memory_space<hbm>>
        %dma_wait3A_429 = arith.constant 0 : i32
        %dma_wait3A_430 = tpu.memref_slice %arg4[%dma_wait3A_429, %add3A_266] : memref<8x4096xf32, #tpu.memory_space<vmem>> -> memref<8x128xf32, #tpu.memory_space<vmem>>
        tpu.wait_dma2 semaphore(%arg5 : memref<!tpu.dma_semaphore, #tpu.memory_space<semaphore_mem>>) src(%dma_wait3A_430 : memref<8x128xf32, #tpu.memory_space<vmem>>) dst(%dma_wait3A_428 : memref<8x128xf32, #tpu.memory_space<hbm>>)
        %dma_wait3A_431 = arith.constant 12 : i32
        %dma_wait3A_432 = arith.constant 0 : i32
        %dma_wait3A_433 = tpu.memref_slice %arg4[%dma_wait3A_432, %add3A_268] : memref<8x4096xf32, #tpu.memory_space<vmem>> -> memref<8x128xf32, #tpu.memory_space<vmem>>
        %dma_wait3A_434 = arith.constant 0 : i32
        %dma_wait3A_435 = arith.constant 0 : i32
        %dma_wait3A_436 = tpu.memref_slice %arg3[%select_n3A, %add3A_238, %dma_wait3A_431, %dma_wait3A_434, %dma_wait3A_435] : memref<16x256x16x8x128xf32, #tpu.memory_space<hbm>> -> memref<1x1x1x8x128xf32, #tpu.memory_space<hbm>>
        %dma_wait3A_437 = tpu.memref_squeeze %dma_wait3A_436 : memref<1x1x1x8x128xf32, #tpu.memory_space<hbm>> -> memref<8x128xf32, #tpu.memory_space<hbm>>
        %dma_wait3A_438 = arith.constant 0 : i32
        %dma_wait3A_439 = arith.constant 0 : i32
        %dma_wait3A_440 = tpu.memref_slice %arg3[%select_n3A, %add3A_238, %dma_wait3A_431, %dma_wait3A_438, %dma_wait3A_439] : memref<16x256x16x8x128xf32, #tpu.memory_space<hbm>> -> memref<1x1x1x8x128xf32, #tpu.memory_space<hbm>>
        %dma_wait3A_441 = tpu.memref_squeeze %dma_wait3A_440 : memref<1x1x1x8x128xf32, #tpu.memory_space<hbm>> -> memref<8x128xf32, #tpu.memory_space<hbm>>
        %dma_wait3A_442 = arith.constant 0 : i32
        %dma_wait3A_443 = tpu.memref_slice %arg4[%dma_wait3A_442, %add3A_268] : memref<8x4096xf32, #tpu.memory_space<vmem>> -> memref<8x128xf32, #tpu.memory_space<vmem>>
        tpu.wait_dma2 semaphore(%arg5 : memref<!tpu.dma_semaphore, #tpu.memory_space<semaphore_mem>>) src(%dma_wait3A_443 : memref<8x128xf32, #tpu.memory_space<vmem>>) dst(%dma_wait3A_441 : memref<8x128xf32, #tpu.memory_space<hbm>>)
        %dma_wait3A_444 = arith.constant 13 : i32
        %dma_wait3A_445 = arith.constant 0 : i32
        %dma_wait3A_446 = tpu.memref_slice %arg4[%dma_wait3A_445, %add3A_270] : memref<8x4096xf32, #tpu.memory_space<vmem>> -> memref<8x128xf32, #tpu.memory_space<vmem>>
        %dma_wait3A_447 = arith.constant 0 : i32
        %dma_wait3A_448 = arith.constant 0 : i32
        %dma_wait3A_449 = tpu.memref_slice %arg3[%select_n3A, %add3A_238, %dma_wait3A_444, %dma_wait3A_447, %dma_wait3A_448] : memref<16x256x16x8x128xf32, #tpu.memory_space<hbm>> -> memref<1x1x1x8x128xf32, #tpu.memory_space<hbm>>
        %dma_wait3A_450 = tpu.memref_squeeze %dma_wait3A_449 : memref<1x1x1x8x128xf32, #tpu.memory_space<hbm>> -> memref<8x128xf32, #tpu.memory_space<hbm>>
        %dma_wait3A_451 = arith.constant 0 : i32
        %dma_wait3A_452 = arith.constant 0 : i32
        %dma_wait3A_453 = tpu.memref_slice %arg3[%select_n3A, %add3A_238, %dma_wait3A_444, %dma_wait3A_451, %dma_wait3A_452] : memref<16x256x16x8x128xf32, #tpu.memory_space<hbm>> -> memref<1x1x1x8x128xf32, #tpu.memory_space<hbm>>
        %dma_wait3A_454 = tpu.memref_squeeze %dma_wait3A_453 : memref<1x1x1x8x128xf32, #tpu.memory_space<hbm>> -> memref<8x128xf32, #tpu.memory_space<hbm>>
        %dma_wait3A_455 = arith.constant 0 : i32
        %dma_wait3A_456 = tpu.memref_slice %arg4[%dma_wait3A_455, %add3A_270] : memref<8x4096xf32, #tpu.memory_space<vmem>> -> memref<8x128xf32, #tpu.memory_space<vmem>>
        tpu.wait_dma2 semaphore(%arg5 : memref<!tpu.dma_semaphore, #tpu.memory_space<semaphore_mem>>) src(%dma_wait3A_456 : memref<8x128xf32, #tpu.memory_space<vmem>>) dst(%dma_wait3A_454 : memref<8x128xf32, #tpu.memory_space<hbm>>)
        %dma_wait3A_457 = arith.constant 14 : i32
        %dma_wait3A_458 = arith.constant 0 : i32
        %dma_wait3A_459 = tpu.memref_slice %arg4[%dma_wait3A_458, %add3A_272] : memref<8x4096xf32, #tpu.memory_space<vmem>> -> memref<8x128xf32, #tpu.memory_space<vmem>>
        %dma_wait3A_460 = arith.constant 0 : i32
        %dma_wait3A_461 = arith.constant 0 : i32
        %dma_wait3A_462 = tpu.memref_slice %arg3[%select_n3A, %add3A_238, %dma_wait3A_457, %dma_wait3A_460, %dma_wait3A_461] : memref<16x256x16x8x128xf32, #tpu.memory_space<hbm>> -> memref<1x1x1x8x128xf32, #tpu.memory_space<hbm>>
        %dma_wait3A_463 = tpu.memref_squeeze %dma_wait3A_462 : memref<1x1x1x8x128xf32, #tpu.memory_space<hbm>> -> memref<8x128xf32, #tpu.memory_space<hbm>>
        %dma_wait3A_464 = arith.constant 0 : i32
        %dma_wait3A_465 = arith.constant 0 : i32
        %dma_wait3A_466 = tpu.memref_slice %arg3[%select_n3A, %add3A_238, %dma_wait3A_457, %dma_wait3A_464, %dma_wait3A_465] : memref<16x256x16x8x128xf32, #tpu.memory_space<hbm>> -> memref<1x1x1x8x128xf32, #tpu.memory_space<hbm>>
        %dma_wait3A_467 = tpu.memref_squeeze %dma_wait3A_466 : memref<1x1x1x8x128xf32, #tpu.memory_space<hbm>> -> memref<8x128xf32, #tpu.memory_space<hbm>>
        %dma_wait3A_468 = arith.constant 0 : i32
        %dma_wait3A_469 = tpu.memref_slice %arg4[%dma_wait3A_468, %add3A_272] : memref<8x4096xf32, #tpu.memory_space<vmem>> -> memref<8x128xf32, #tpu.memory_space<vmem>>
        tpu.wait_dma2 semaphore(%arg5 : memref<!tpu.dma_semaphore, #tpu.memory_space<semaphore_mem>>) src(%dma_wait3A_469 : memref<8x128xf32, #tpu.memory_space<vmem>>) dst(%dma_wait3A_467 : memref<8x128xf32, #tpu.memory_space<hbm>>)
        %dma_wait3A_470 = arith.constant 15 : i32
        %dma_wait3A_471 = arith.constant 0 : i32
        %dma_wait3A_472 = tpu.memref_slice %arg4[%dma_wait3A_471, %add3A_274] : memref<8x4096xf32, #tpu.memory_space<vmem>> -> memref<8x128xf32, #tpu.memory_space<vmem>>
        %dma_wait3A_473 = arith.constant 0 : i32
        %dma_wait3A_474 = arith.constant 0 : i32
        %dma_wait3A_475 = tpu.memref_slice %arg3[%select_n3A, %add3A_238, %dma_wait3A_470, %dma_wait3A_473, %dma_wait3A_474] : memref<16x256x16x8x128xf32, #tpu.memory_space<hbm>> -> memref<1x1x1x8x128xf32, #tpu.memory_space<hbm>>
        %dma_wait3A_476 = tpu.memref_squeeze %dma_wait3A_475 : memref<1x1x1x8x128xf32, #tpu.memory_space<hbm>> -> memref<8x128xf32, #tpu.memory_space<hbm>>
        %dma_wait3A_477 = arith.constant 0 : i32
        %dma_wait3A_478 = arith.constant 0 : i32
        %dma_wait3A_479 = tpu.memref_slice %arg3[%select_n3A, %add3A_238, %dma_wait3A_470, %dma_wait3A_477, %dma_wait3A_478] : memref<16x256x16x8x128xf32, #tpu.memory_space<hbm>> -> memref<1x1x1x8x128xf32, #tpu.memory_space<hbm>>
        %dma_wait3A_480 = tpu.memref_squeeze %dma_wait3A_479 : memref<1x1x1x8x128xf32, #tpu.memory_space<hbm>> -> memref<8x128xf32, #tpu.memory_space<hbm>>
        %dma_wait3A_481 = arith.constant 0 : i32
        %dma_wait3A_482 = tpu.memref_slice %arg4[%dma_wait3A_481, %add3A_274] : memref<8x4096xf32, #tpu.memory_space<vmem>> -> memref<8x128xf32, #tpu.memory_space<vmem>>
        tpu.wait_dma2 semaphore(%arg5 : memref<!tpu.dma_semaphore, #tpu.memory_space<semaphore_mem>>) src(%dma_wait3A_482 : memref<8x128xf32, #tpu.memory_space<vmem>>) dst(%dma_wait3A_480 : memref<8x128xf32, #tpu.memory_space<hbm>>)
      } else {
      }
    }
    %scan3A_227 = arith.constant 136 : i32
    return
  }
}

</mosaic_0001>

<sc_bundles>
// kernel: kernel.3.cloned.1.call-start
scs
__scs_entry_jumppad:
0x0: {  	(pc) =	sbr.rel $0x88, $3  }
0x1: {  	(tag) =	ssettag $0x0;
	lr =	simm.s32 $0x1  }
0x2: {  	[smem:$0x3FA0] =	sst lr;
	_ =	strace $0xD0000000  }
0x3: {  	_ = 	snop  }
0x4: {  	_ = 	snop  }
0x5: {  	_ = 	snop  }
0x6: {  	_ = 	snop  }
0x7: {  	_ = 	snop  }
__scs_overlays_trampoline_lowered:
0x8: {  	[smem:$0x3FAF] =	sst s0  }
0x9: {  	[smem:$0x3FB0] =	sst s1  }
0xa: {  	[smem:$0x3FB1] =	sst s2  }
0xb: {  	[smem:$0x3FB2] =	sst s3  }
0xc: {  	[smem:$0x3FB3] =	sst s4  }
0xd: {  	[smem:$0x3FB4] =	sst s5  }
0xe: {  	[smem:$0x3FB5] =	sst s6  }
0xf: {  	[smem:$0x3FB6] =	sst s7  }
0x10: {  	[smem:$0x3FB7] =	sst s8  }
0x11: {  	[smem:$0x3FB8] =	sst s9;
	s0 =	simm.s32 @!p0 $0x0  }
0x12: {  	s1 =	sld [smem:$0x3F9E];
	s0 =	simm.s32 @p0 $0x1  }
0x13: {  	[smem:$0x3FB9] =	sst s0;
	s0 =	simm.s32 @!p1 $0x0  }
0x14: {  	s2 =	sld [smem:$0x3F9D];
	s0 =	simm.s32 @p1 $0x1  }
0x15: {  	[smem:$0x3FBA] =	sst s0;
	s0 =	simm.s32 @!p2 $0x0  }
0x16: {  	s3 =	sld [smem:$0x3FDB];
	s0 =	simm.s32 @p2 $0x1  }
0x17: {  	s4 =	simm.s32 $0x1BF5;
	[smem:$0x3FBC] =	sst s0  }
0x18: {  	s0 =	sld [smem:$0x3F9F];
	_ =	swait.ge [sflag:s4], $0x0  }
0x19: {  	s7 =	sld [smem:$0x3FA0]  }
0x1a: {  	s8 =	sadd.s32 $0xFFFFE003, lr  }
0x1b: {  	s9 =	sadd.s32 $0xFFFFFEF7, lr;
	s5 =	simm.s32 $0xFFFFFFFF;
	p2 =	slt.u32 s8, $0xFFFFF086  }
0x1c: {  	p1 =	slt.u32 s9, $0xF7A;
	s5 =	simm.s32 @!p2 $0x0  }
0x1d: {  	s5 =	simm.s32 @p1 $0x1;
	p0 =	seq.s32 s7, s2  }
0x1e: {  	s7 =	smul.u32 @!p0 $0xF7A, s2;
	p2 =	seq.s32 @!p0 s5, $0x0  }
0x1f: {  	s9 =	smul.u32 $0xF7A, s1;
	s8 =	simm.s32 @!p0 $0x1BF5;
	p2 =	por !p2, p0  }
0x20: {  	[sflag:s8] =	ssyncset.s32 @!p0 $0xFFFFF086;
	s6 =	sadd.s32 @!p0 s3, s7;
	s7 =	simm.s32 @!p0 $0x108  }
0x21: {  	s3 =	sadd.s32 s3, s9;
	s6 =	sadd.s32 @!p0 $0x88, s6;
	s7 =	simm.s32 @p2 $0x1082  }
0x22: {  	[simem:s7], [sflag:s8] =	dma.local @!p0 [hbm:s6], $0xF7A  }
0x23: {  	s9 =	sor.u32 $0xD0000000, s2;
	s6 =	simm.s32 $0x108;
	_ =	swait.ge @!p0 [sflag:s8], $0x0  }
0x24: {  	s3 =	sadd.s32 $0x88, s3;
	s6 =	simm.s32 @!p1 $0x1082;
	[sflag:s4] =	ssyncset.s32 $0xFFFFF086  }
0x25: {  	[simem:s6], [sflag:s4] =	dma.local [hbm:s3], $0xF7A  }
0x26: {  	[smem:$0x3FA0] =	sst s1;
	(tag) =	ssettag s2;
	_ =	strace s9  }
0x27: {  	s1 =	sld [smem:$0x3FB0]  }
0x28: {  	s2 =	sld [smem:$0x3FB1]  }
0x29: {  	s4 =	sld [smem:$0x3FB3]  }
0x2a: {  	p0 =	seq.s32 s5, $0x0;
	s5 =	sld [smem:$0x3FB4]  }
0x2b: {  	s6 =	sld [smem:$0x3FB5]  }
0x2c: {  	s7 =	sld [smem:$0x3FB6]  }
0x2d: {  	s3 =	simm.s32 $0x108;
	s8 =	sld [smem:$0x3FB7]  }
0x2e: {  	s3 =	simm.s32 @!p0 $0x1082;
	s9 =	sld [smem:$0x3FB8]  }
0x2f: {  	lr =	sadd.s32 s0, s3;
	s0 =	sld [smem:$0x3FAF]  }
0x30: {  	s3 =	sld [smem:$0x3FB2]  }
0x31: {  	[smem:$0x3FBB] =	sst s10  }
0x32: {  	s10 =	sld [smem:$0x3FB9];
	_ =	sdelay $0x3  }
0x33: {  	p0 =	seq.s32 s10, $0x1;
	s10 =	sld [smem:$0x3FBB];
	_ =	sdelay $0x3  }
0x34: {  	[smem:$0x3FBB] =	sst s10  }
0x35: {  	s10 =	sld [smem:$0x3FBA];
	_ =	sdelay $0x3  }
0x36: {  	p1 =	seq.s32 s10, $0x1;
	s10 =	sld [smem:$0x3FBB];
	_ =	sdelay $0x3  }
0x37: {  	[smem:$0x3FBB] =	sst s10  }
0x38: {  	s10 =	sld [smem:$0x3FBC]  }
0x39: {  	_ = 	snop;
	(pc) =	sbr.ind lr, $3  }
0x3a: {  	_ = 	snop  }
0x3b: {  	_ = 	snop  }
0x3c: {  	p2 =	seq.s32 s10, $0x1;
	s10 =	sld [smem:$0x3FBB]  }
0x3d: {  	_ =	shalt  }
0x3e: {  	_ =	shalt  }
0x3f: {  	_ =	shalt  }
0x40: {  	_ =	shalt  }
0x41: {  	_ =	shalt  }
0x42: {  	_ =	shalt  }
0x43: {  	_ =	shalt  }
0x44: {  	_ =	shalt  }
0x45: {  	_ =	shalt  }
0x46: {  	_ =	shalt  }
0x47: {  	_ =	shalt  }
0x48: {  	_ =	shalt  }
0x49: {  	_ =	shalt  }
0x4a: {  	_ =	shalt  }
0x4b: {  	_ =	shalt  }
0x4c: {  	_ =	shalt  }
0x4d: {  	_ =	shalt  }
0x4e: {  	_ =	shalt  }
0x4f: {  	_ =	shalt  }
0x50: {  	_ =	shalt  }
0x51: {  	_ =	shalt  }
0x52: {  	_ =	shalt  }
0x53: {  	_ =	shalt  }
0x54: {  	_ =	shalt  }
0x55: {  	_ =	shalt  }
0x56: {  	_ =	shalt  }
0x57: {  	_ =	shalt  }
0x58: {  	_ =	shalt  }
0x59: {  	_ =	shalt  }
0x5a: {  	_ =	shalt  }
0x5b: {  	_ =	shalt  }
0x5c: {  	_ =	shalt  }
0x5d: {  	_ =	shalt  }
0x5e: {  	_ =	shalt  }
0x5f: {  	_ =	shalt  }
0x60: {  	_ =	shalt  }
0x61: {  	_ =	shalt  }
0x62: {  	_ =	shalt  }
0x63: {  	_ =	shalt  }
0x64: {  	_ =	shalt  }
0x65: {  	_ =	shalt  }
0x66: {  	_ =	shalt  }
0x67: {  	_ =	shalt  }
0x68: {  	_ =	shalt  }
0x69: {  	_ =	shalt  }
0x6a: {  	_ =	shalt  }
0x6b: {  	_ =	shalt  }
0x6c: {  	_ =	shalt  }
0x6d: {  	_ =	shalt  }
0x6e: {  	_ =	shalt  }
0x6f: {  	_ =	shalt  }
0x70: {  	_ =	shalt  }
0x71: {  	_ =	shalt  }
0x72: {  	_ =	shalt  }
0x73: {  	_ =	shalt  }
0x74: {  	_ =	shalt  }
0x75: {  	_ =	shalt  }
0x76: {  	_ =	shalt  }
0x77: {  	_ =	shalt  }
0x78: {  	_ =	shalt  }
0x79: {  	_ =	shalt  }
0x7a: {  	_ =	shalt  }
0x7b: {  	_ =	shalt  }
0x7c: {  	_ =	shalt  }
0x7d: {  	_ =	shalt  }
0x7e: {  	_ =	shalt  }
0x7f: {  	_ =	shalt  }
0x80: {  	_ =	shalt  }
0x81: {  	_ =	shalt  }
0x82: {  	_ =	shalt  }
0x83: {  	_ =	shalt  }
0x84: {  	_ =	shalt  }
0x85: {  	_ =	shalt  }
0x86: {  	_ =	shalt  }
0x87: {  	_ =	shalt  }
.Lfunc_end0:
.L_simem_size_0:
called_computation_lowered:
.L_overlay_start_0:
0x88: {  	s2 =	sld [smem:$0x3FD9]  }
0x89: {  	s3 =	sld [smem:$0x3FFE];
	_ =	sdelay $0x1  }
0x8a: {  	s1 =	srdreg.scid  }
0x8b: {  	s0 =	sand.u32 $0x1, s1  }
0x8c: {  	s17 =	sshll.u32 s0, $0xA;
	s2 =	sadd.s32 s3, s2  }
0x8d: {  	s2 =	sadd.s32 s2, s17  }
0x8e: {  	[smem:$0x3FC7] =	sst s2  }
0x8f: {  	_ = 	snop  }
0x90: {  	s2 =	sld [smem:$0x3FD0];
	(tm) =	ssettm $0x1  }
0x91: {  	s18 =	sld [smem:$0x3FFB];
	_ =	sdelay $0x3  }
0x92: {  	_ =	strace s18  }
0x93: {  	s3 =	sld [smem:$0x3FFC];
	_ =	sdelay $0x3  }
0x94: {  	_ =	strace s3  }
0x95: {  	s3 =	sld [smem:$0x3FFD];
	_ =	sdelay $0x3  }
0x96: {  	_ =	strace s3  }
0x97: {  	_ =	strace $0x8FFFFFFF  }
0x98: {  	s19 =	sld [smem:$0x3FDB];
	_ =	sdelay $0x1  }
0x99: {  	s4 =	simm.s32 $_scs_section_size  }
0x9a: {  	s5 =	simm.s32 $_size__tile_overlayer_lowered;
	s6 =	simm.s32 $_tile_overlayer_lowered  }
0x9b: {  	s22 =	simm.s32 $0x1BFF;
	s21 =	sshll.u32 s6, $0x1;
	s3 =	sadd.s32 s4, s19  }
0x9c: {  	s7 =	simm.s32 $0x0;
	s20 =	sshll.u32 s5, $0x1;
	s5 =	sadd.s32 s21, s3  }
0x9d: {  	[timem:s7], [sflag:s22] =	dma.local [hbm:s5], s20  }
0x9e: {  	_ =	swait.ge [sflag:s22], s20  }
0x9f: {  	s4 =	ssub.s32 $0x0, s20;
	[sflag:s22] =	ssyncset.done $0x0  }
0xa0: {  	[sflag:s22] =	ssyncadd.s32 s4;
	_ =	sdelay $0x1  }
0xa1: {  	s23 =	simm.s32 $0x1B8B  }
0xa2: {  	_ =	swait.ge [sflag:s23], $0x1  }
0xa3: {  	[sflag:s23] =	ssyncset.done $0x0  }
0xa4: {  	s25 =	simm.s32 $0x1B8E;
	s24 =	sld [smem:$0x3FFE];
	[sflag:s23] =	ssyncadd.s32 $0xFFFFFFFF  }
0xa5: {  	s26 =	simm.s32 $execute0_lowered;
	[smem:$0x3FD2] =	sst s25  }
0xa6: {  	s5 =	sshll.u32 s26, $0x1;
	_ =	strace $0x80000046;
	[dreg:$0x1] =	wrdreg $0xFFFFFFFF  }
0xa7: {  	s28 =	simm.s32 $_size_execute0_lowered;
	s3 =	sadd.s32 s3, s5;
	[dreg:$0x0] =	wrdreg $0x0  }
0xa8: {  	s5 =	sshll.u32 s28, $0x1;
	[dreg:$0x2] =	wrdreg s3  }
0xa9: {  	[dreg:$0x3] =	wrdreg s5  }
0xaa: {  	[dreg:$0x4] =	wrdreg $0xC0  }
0xab: {  	_ =	task [dreg:s7], $0x5FFFF  }
0xac: {  	[dreg:$0x1] =	wrdreg $0xFFFFFFFF  }
0xad: {  	[dreg:$0x0] =	wrdreg $0x60  }
0xae: {  	[dreg:$0x2] =	wrdreg s24  }
0xaf: {  	[dreg:$0x3] =	wrdreg s2  }
0xb0: {  	[dreg:$0x4] =	wrdreg $0x9  }
0xb1: {  	_ =	task.clear_ibuf [dreg:s7], $0x5FFFF;
	_ =	strace $0x90000046  }
0xb2: {  	s29 =	simm.s32 $0x9;
	_ =	strace $0x80000048  }
0xb3: {  	_ =	swait.ge [sflag:s29], $0x1  }
0xb4: {  	[sflag:s29] =	ssyncadd.s32 $0xFFFFFFFF  }
0xb5: {  	_ =	strace $0x90000048  }
0xb6: {  	_ =	sfence  }
0xb7: {  	s30 =	sld [smem:$0x0];
	_ =	sdelay $0x2  }
0xb8: {  	s31 =	sshll.u32 s1, $0xD;
	s1 =	sshrl.u32 s1, $0x2  }
0xb9: {  	s3 =	sand.u32 $0x4000, s31;
	s1 =	sadd.s32 s1, s30  }
0xba: {  	s0 =	sor.u32 s3, s0;
	s1 =	sshll.u32 s1, $0x11  }
0xbb: {  	s0 =	sor.u32 s1, s0  }
0xbc: {  	s0 =	sadd.s32 $0x8F2B, s0  }
0xbd: {  	[sflag:s0] =	ssyncadd.remote.s32 $0x1  }
0xbe: {  	_ =	sfence.sel $0xFFFF  }
0xbf: {  	[dreg:$0x0] =	wrdreg $0xFFFFFFFF;
	(pc) =	sbr.abs _section_cstart, $3  }
0xc0: {  	[dreg:$0x1] =	wrdreg $0xFFFFFFFF  }
0xc1: {  	_ =	task.clear_ibuf [dreg:s7], $0x2FFFF;
	_ =	strace $0x9FFFFFFF  }
0xc2: {  	(tm) =	ssettm $0x7FFFFFFF  }
0xc3: {  	_ =	shalt  }
tec
execute0_lowered:
.L_overlay_start_1:
0x0: {  	(tag) =	ssettag $0x1  }
0x1: {  	s0 =	srdreg.scid;
	s5 =	stileid.u32  }
0x2: {  	s15 =	rddreg [dreg:$0x0];
	s4 =	simm.s32 $0x1;
	s0 =	sand.u32 $0x1, s0  }
0x3: {  	s2 =	rddreg [dreg:$0x1];
	s3 =	simm.s32 $0x0;
	s1 =	sor.u32 s0, s5  }
0x4: {  	[smem:$0x7FF] =	sst s3;
	p1 =	seq.s32 s0, $0x1;
	p0 =	seq.s32 s1, $0x0  }
0x5: {  	s13 =	sadd.s32 $0x80, s2;
	s14 =	sadd.s32 $0x100, s2;
	p0 =	por !p0, !p1  }
0x6: {  	s28 =	sadd.s32 $0x600, s2;
	s29 =	sadd.s32 $0x680, s2;
	p0 =	por !p0, !p0  }
0x7: {  	s30 =	sadd.s32 $0x700, s2;
	s31 =	sadd.s32 $0x780, s2;
	s4 =	simm.s32 @!p0 $0x0  }
0x8: {  	_ =	strace $0x80000047;
	s7 =	ssub.s32 $0x2, s0;
	s5 =	ssub.s32 s5, s4  }
0x9: {  	s25 =	sshll.u32 s0, $0xC;
	s0 =	sshll.u32 s0, $0x15;
	s4 =	sshll.u32 s5, $0xC  }
0xa: {  	s16 =	sshrl.u32 s7, $0x1;
	s26 =	ssub.s32 $0x0, s25;
	s6 =	sand.u32 $0x1FFFF000, s4  }
0xb: {  	s25 =	sshra.s32 s26, $0x2;
	s26 =	sadd.s32 $0x580, s2;
	s1 =	sadd.s32 s6, s15  }
0xc: {  	s24 =	sshll.u32 s5, $0x16;
	s4 =	simm.s32 $0x1;
	s17 =	sadd.s32 $0x600, s1  }
0xd: {  	s6 =	ssub.s32 s7, s16;
	s18 =	sadd.s32 $0x800, s1;
	[dreg:$0x3] =	wrdreg s17  }
0xe: {  	s15 =	sadd.s32 $0x180, s2;
	s19 =	sadd.s32 $0xA00, s1;
	[dreg:$0x4] =	wrdreg s18  }
0xf: {  	s16 =	sadd.s32 $0x200, s2;
	s20 =	sadd.s32 $0xC00, s1;
	[dreg:$0x5] =	wrdreg s19  }
0x10: {  	s21 =	sadd.s32 $0xE00, s1;
	s22 =	sadd.s32 $0x1000, s1;
	[dreg:$0x6] =	wrdreg s20  }
.Ltmp0:
0x11: {  	s23 =	sadd.s32 $0x1200, s1;
	[dreg:$0x7] =	wrdreg s21;
	(pc) =	sbr.rel .LBB2_1-.Ltmp0, $4  }
0x12: {  	s12 =	sadd.s32 $0x1400, s1;
	s1 =	sor.u32 s0, s24;
	[dreg:$0x8] =	wrdreg s22  }
0x13: {  	s24 =	smax.u32 s6, $0x1;
	s0 =	simm.s32 $0x0;
	[dreg:$0x9] =	wrdreg s23  }
0x14: {  	s17 =	sadd.s32 $0x280, s2;
	s18 =	sadd.s32 $0x300, s2;
	s19 =	sadd.s32 $0x380, s2  }
0x15: {  	s20 =	sadd.s32 $0x400, s2;
	s21 =	sadd.s32 $0x480, s2;
	s23 =	sadd.s32 $0x500, s2  }
.LBB2_6:
0x16: {  	s0 =	sadd.s32 $0x1, s0  }
0x17: {  	p0 =	sne.s32 s0, s24  }
.Ltmp1:
0x18: {  	_ = 	snop;
	(pc) =	sbr.rel @!p0 .LBB2_7-.Ltmp1, $1  }
0x19: {  	_ =	sdelay $0x3  }
.LBB2_1:
0x1a: {  	s5 =	rddreg [dreg:$0x3]  }
0x1b: {  	[tilespmem:s3], [sflag:$0x1] =	stream.linear.gather [hbm4b:s5+s3], $0x1000, $0x38;
	[tilespmem:$0x8000] =	vst v63  }
0x1c: {  	s8 =	rddreg [dreg:$0x4];
	s6 =	simm.s32 $0x1000  }
0x1d: {  	[tilespmem:s6], [sflag:$0x1] =	stream.linear.gather [hbm4b:s8+s3], $0x1000, $0x38;
	[tilespmem:$0x8000] =	vst v63  }
0x1e: {  	s9 =	rddreg [dreg:$0x5];
	s10 =	simm.s32 $0x2000  }
0x1f: {  	[tilespmem:s10], [sflag:$0x1] =	stream.linear.gather [hbm4b:s9+s3], $0x1000, $0x38;
	[tilespmem:$0x8000] =	vst v63  }
0x20: {  	s11 =	rddreg [dreg:$0x6];
	s22 =	simm.s32 $0x3000  }
0x21: {  	[tilespmem:s22], [sflag:$0x1] =	stream.linear.gather [hbm4b:s11+s3], $0x1000, $0x38;
	[tilespmem:$0x8000] =	vst v63  }
0x22: {  	s7 =	simm.s32 $0x4000;
	s6 =	rddreg [dreg:$0x7]  }
0x23: {  	[tilespmem:s7], [sflag:$0x1] =	stream.linear.gather [hbm4b:s6+s3], $0x1000, $0x38;
	[tilespmem:$0x8000] =	vst v63  }
0x24: {  	s8 =	rddreg [dreg:$0x8];
	s9 =	simm.s32 $0x5000  }
0x25: {  	[tilespmem:s9], [sflag:$0x1] =	stream.linear.gather [hbm4b:s8+s3], $0x1000, $0x38;
	[tilespmem:$0x8000] =	vst v63  }
0x26: {  	s10 =	rddreg [dreg:$0x9];
	s11 =	simm.s32 $0x6000  }
0x27: {  	[tilespmem:s11], [sflag:$0x1] =	stream.linear.gather [hbm4b:s10+s3], $0x1000, $0x38;
	[tilespmem:$0x8000] =	vst v63  }
0x28: {  	s22 =	simm.s32 $0x7000  }
0x29: {  	[tilespmem:s22], [sflag:$0x1] =	stream.linear.gather [hbm4b:s12+s3], $0x1000, $0x38;
	[tilespmem:$0x8000] =	vst v63  }
0x2a: {  	_ =	swait.ge [sflag:s4], $0x1000  }
0x2b: {  	[sflag:s4] =	ssyncset.done $0x0  }
0x2c: {  	[sflag:s4] =	ssyncadd.s32 $0xFFFFF000  }
0x2d: {  	_ =	swait.ge [sflag:s4], $0x1000  }
0x2e: {  	[sflag:s4] =	ssyncset.done $0x0  }
0x2f: {  	[sflag:s4] =	ssyncadd.s32 $0xFFFFF000  }
0x30: {  	_ =	swait.ge [sflag:s4], $0x1000  }
0x31: {  	[sflag:s4] =	ssyncset.done $0x0  }
0x32: {  	[sflag:s4] =	ssyncadd.s32 $0xFFFFF000  }
0x33: {  	_ =	swait.ge [sflag:s4], $0x1000  }
0x34: {  	[sflag:s4] =	ssyncset.done $0x0  }
0x35: {  	[sflag:s4] =	ssyncadd.s32 $0xFFFFF000  }
0x36: {  	_ =	swait.ge [sflag:s4], $0x1000  }
0x37: {  	[sflag:s4] =	ssyncset.done $0x0  }
0x38: {  	[sflag:s4] =	ssyncadd.s32 $0xFFFFF000  }
0x39: {  	_ =	swait.ge [sflag:s4], $0x1000  }
0x3a: {  	[sflag:s4] =	ssyncset.done $0x0  }
0x3b: {  	[sflag:s4] =	ssyncadd.s32 $0xFFFFF000  }
0x3c: {  	_ =	swait.ge [sflag:s4], $0x1000  }
.Ltmp2:
0x3d: {  	[sflag:s4] =	ssyncset.done $0x0;
	(pc) =	sbr.rel .LBB2_2-.Ltmp2, $4  }
0x3e: {  	[sflag:s4] =	ssyncadd.s32 $0xFFFFF000  }
0x3f: {  	_ =	swait.ge [sflag:s4], $0x1000  }
0x40: {  	s5 =	simm.s32 $0x0;
	[sflag:s4] =	ssyncset.done $0x0  }
0x41: {  	s6 =	simm.s32 $0x0;
	s22 =	smov.u32 s1;
	[sflag:s4] =	ssyncadd.s32 $0xFFFFF000  }
.LBB2_4:
0x42: {  	_ =	swait.ge [sflag:s4], $0x400  }
0x43: {  	[sflag:s4] =	ssyncset.done $0x0  }
0x44: {  	[sflag:s4] =	ssyncadd.s32 $0xFFFFFC00  }
0x45: {  	_ =	swait.ge [sflag:s4], $0x400  }
0x46: {  	[sflag:s4] =	ssyncset.done $0x0  }
0x47: {  	[sflag:s4] =	ssyncadd.s32 $0xFFFFFC00  }
0x48: {  	_ =	swait.ge [sflag:s4], $0x400  }
0x49: {  	[sflag:s4] =	ssyncset.done $0x0  }
0x4a: {  	[sflag:s4] =	ssyncadd.s32 $0xFFFFFC00  }
0x4b: {  	_ =	swait.ge [sflag:s4], $0x400  }
0x4c: {  	[sflag:s4] =	ssyncset.done $0x0  }
0x4d: {  	[sflag:s4] =	ssyncadd.s32 $0xFFFFFC00  }
0x4e: {  	_ =	swait.ge [sflag:s4], $0x400  }
0x4f: {  	[sflag:s4] =	ssyncset.done $0x0  }
0x50: {  	[sflag:s4] =	ssyncadd.s32 $0xFFFFFC00  }
0x51: {  	_ =	swait.ge [sflag:s4], $0x400  }
0x52: {  	[sflag:s4] =	ssyncset.done $0x0  }
0x53: {  	[sflag:s4] =	ssyncadd.s32 $0xFFFFFC00  }
0x54: {  	_ =	swait.ge [sflag:s4], $0x400  }
0x55: {  	[sflag:s4] =	ssyncset.done $0x0  }
0x56: {  	[sflag:s4] =	ssyncadd.s32 $0xFFFFFC00  }
0x57: {  	_ =	swait.ge [sflag:s4], $0x400  }
0x58: {  	[sflag:s4] =	ssyncset.done $0x0  }
0x59: {  	[sflag:s4] =	ssyncadd.s32 $0xFFFFFC00  }
0x5a: {  	_ =	swait.ge [sflag:s4], $0x400  }
0x5b: {  	[sflag:s4] =	ssyncset.done $0x0  }
0x5c: {  	[sflag:s4] =	ssyncadd.s32 $0xFFFFFC00  }
0x5d: {  	_ =	swait.ge [sflag:s4], $0x400  }
0x5e: {  	[sflag:s4] =	ssyncset.done $0x0  }
0x5f: {  	[sflag:s4] =	ssyncadd.s32 $0xFFFFFC00  }
0x60: {  	_ =	swait.ge [sflag:s4], $0x400  }
0x61: {  	[sflag:s4] =	ssyncset.done $0x0  }
0x62: {  	[sflag:s4] =	ssyncadd.s32 $0xFFFFFC00  }
0x63: {  	_ =	swait.ge [sflag:s4], $0x400  }
0x64: {  	[sflag:s4] =	ssyncset.done $0x0  }
0x65: {  	[sflag:s4] =	ssyncadd.s32 $0xFFFFFC00  }
0x66: {  	_ =	swait.ge [sflag:s4], $0x400  }
0x67: {  	[sflag:s4] =	ssyncset.done $0x0  }
0x68: {  	[sflag:s4] =	ssyncadd.s32 $0xFFFFFC00  }
0x69: {  	_ =	swait.ge [sflag:s4], $0x400  }
0x6a: {  	[sflag:s4] =	ssyncset.done $0x0  }
0x6b: {  	[sflag:s4] =	ssyncadd.s32 $0xFFFFFC00  }
0x6c: {  	_ =	swait.ge [sflag:s4], $0x400  }
0x6d: {  	[sflag:s4] =	ssyncset.done $0x0  }
0x6e: {  	[sflag:s4] =	ssyncadd.s32 $0xFFFFFC00  }
0x6f: {  	_ =	swait.ge [sflag:s4], $0x400  }
0x70: {  	[sflag:s4] =	ssyncset.done $0x0  }
0x71: {  	[sflag:s4] =	ssyncadd.s32 $0xFFFFFC00  }
.LBB2_5:
0x72: {  	s5 =	sadd.s32 $0xFFFFFFE0, s5  }
0x73: {  	p0 =	sne.s32 s5, $0xFFFFEF00  }
.Ltmp3:
0x74: {  	_ = 	snop;
	(pc) =	sbr.rel @!p0 .LBB2_6-.Ltmp3, $2  }
0x75: {  	_ =	sdelay $0x2  }
0x76: {  	s6 =	sadd.s32 $0x1, s6;
	s22 =	sadd.s32 $0x4000, s22  }
.LBB2_2:
0x77: {  	p0 =	sgt.u32 s6, $0x7F  }
.Ltmp4:
0x78: {  	_ = 	snop;
	(pc) =	sbr.rel @p0 .LBB2_4-.Ltmp4, $1  }
0x79: {  	_ =	sdelay $0x3  }
0x7a: {  	s7 =	sshra.s32 s5, $0x2  }
0x7b: {  	s8 =	sshrl.u32 s22, $0x3;
	s7 =	sadd.s32 s7, s25  }
0x7c: {  	s9 =	sadd.s32 s2, s8;
	s10 =	sadd.s32 $0x7F8, s7  }
0x7d: {  	[hbm4b:s9+s3] =	stream.linear.scatter [tilespmem:s10], [sflag:$0x1], $0x80, $0x38;
	[tilespmem:$0x8000] =	vst v63  }
0x7e: {  	s11 =	sadd.s32 $0x10, s9;
	s10 =	sadd.s32 $0x17F8, s7  }
0x7f: {  	[hbm4b:s11+s3] =	stream.linear.scatter [tilespmem:s10], [sflag:$0x1], $0x80, $0x38;
	[tilespmem:$0x8000] =	vst v63  }
0x80: {  	s10 =	sadd.s32 $0x27F8, s7;
	s11 =	sadd.s32 $0x20, s9  }
0x81: {  	[hbm4b:s11+s3] =	stream.linear.scatter [tilespmem:s10], [sflag:$0x1], $0x80, $0x38;
	[tilespmem:$0x8000] =	vst v63  }
0x82: {  	s10 =	sadd.s32 $0x37F8, s7;
	s11 =	sadd.s32 $0x30, s9  }
0x83: {  	[hbm4b:s11+s3] =	stream.linear.scatter [tilespmem:s10], [sflag:$0x1], $0x80, $0x38;
	[tilespmem:$0x8000] =	vst v63  }
0x84: {  	s10 =	sadd.s32 $0x47F8, s7;
	s11 =	sadd.s32 $0x40, s9  }
0x85: {  	[hbm4b:s11+s3] =	stream.linear.scatter [tilespmem:s10], [sflag:$0x1], $0x80, $0x38;
	[tilespmem:$0x8000] =	vst v63  }
0x86: {  	s10 =	sadd.s32 $0x57F8, s7;
	s11 =	sadd.s32 $0x50, s9  }
0x87: {  	[hbm4b:s11+s3] =	stream.linear.scatter [tilespmem:s10], [sflag:$0x1], $0x80, $0x38;
	[tilespmem:$0x8000] =	vst v63  }
0x88: {  	s10 =	sadd.s32 $0x67F8, s7;
	s11 =	sadd.s32 $0x60, s9  }
0x89: {  	[hbm4b:s11+s3] =	stream.linear.scatter [tilespmem:s10], [sflag:$0x1], $0x80, $0x38;
	[tilespmem:$0x8000] =	vst v63  }
0x8a: {  	s9 =	sadd.s32 $0x70, s9;
	s11 =	sadd.s32 $0x77F8, s7  }
0x8b: {  	[hbm4b:s9+s3] =	stream.linear.scatter [tilespmem:s11], [sflag:$0x1], $0x80, $0x38;
	[tilespmem:$0x8000] =	vst v63  }
0x8c: {  	s9 =	sadd.s32 s8, s13;
	s11 =	sadd.s32 $0x878, s7  }
0x8d: {  	[hbm4b:s9+s3] =	stream.linear.scatter [tilespmem:s11], [sflag:$0x1], $0x80, $0x38;
	[tilespmem:$0x8000] =	vst v63  }
0x8e: {  	s10 =	sadd.s32 $0x1878, s7;
	s11 =	sadd.s32 $0x10, s9  }
0x8f: {  	[hbm4b:s11+s3] =	stream.linear.scatter [tilespmem:s10], [sflag:$0x1], $0x80, $0x38;
	[tilespmem:$0x8000] =	vst v63  }
0x90: {  	s10 =	sadd.s32 $0x2878, s7;
	s11 =	sadd.s32 $0x20, s9  }
0x91: {  	[hbm4b:s11+s3] =	stream.linear.scatter [tilespmem:s10], [sflag:$0x1], $0x80, $0x38;
	[tilespmem:$0x8000] =	vst v63  }
0x92: {  	s10 =	sadd.s32 $0x3878, s7;
	s11 =	sadd.s32 $0x30, s9  }
0x93: {  	[hbm4b:s11+s3] =	stream.linear.scatter [tilespmem:s10], [sflag:$0x1], $0x80, $0x38;
	[tilespmem:$0x8000] =	vst v63  }
0x94: {  	s10 =	sadd.s32 $0x4878, s7;
	s11 =	sadd.s32 $0x40, s9  }
0x95: {  	[hbm4b:s11+s3] =	stream.linear.scatter [tilespmem:s10], [sflag:$0x1], $0x80, $0x38;
	[tilespmem:$0x8000] =	vst v63  }
0x96: {  	s10 =	sadd.s32 $0x5878, s7;
	s11 =	sadd.s32 $0x50, s9  }
0x97: {  	[hbm4b:s11+s3] =	stream.linear.scatter [tilespmem:s10], [sflag:$0x1], $0x80, $0x38;
	[tilespmem:$0x8000] =	vst v63  }
0x98: {  	s10 =	sadd.s32 $0x6878, s7;
	s11 =	sadd.s32 $0x60, s9  }
0x99: {  	[hbm4b:s11+s3] =	stream.linear.scatter [tilespmem:s10], [sflag:$0x1], $0x80, $0x38;
	[tilespmem:$0x8000] =	vst v63  }
0x9a: {  	s9 =	sadd.s32 $0x70, s9;
	s11 =	sadd.s32 $0x7878, s7  }
0x9b: {  	[hbm4b:s9+s3] =	stream.linear.scatter [tilespmem:s11], [sflag:$0x1], $0x80, $0x38;
	[tilespmem:$0x8000] =	vst v63  }
0x9c: {  	s9 =	sadd.s32 s8, s14;
	s11 =	sadd.s32 $0x8F8, s7  }
0x9d: {  	[hbm4b:s9+s3] =	stream.linear.scatter [tilespmem:s11], [sflag:$0x1], $0x80, $0x38;
	[tilespmem:$0x8000] =	vst v63  }
0x9e: {  	s10 =	sadd.s32 $0x18F8, s7;
	s11 =	sadd.s32 $0x10, s9  }
0x9f: {  	[hbm4b:s11+s3] =	stream.linear.scatter [tilespmem:s10], [sflag:$0x1], $0x80, $0x38;
	[tilespmem:$0x8000] =	vst v63  }
0xa0: {  	s10 =	sadd.s32 $0x28F8, s7;
	s11 =	sadd.s32 $0x20, s9  }
0xa1: {  	[hbm4b:s11+s3] =	stream.linear.scatter [tilespmem:s10], [sflag:$0x1], $0x80, $0x38;
	[tilespmem:$0x8000] =	vst v63  }
0xa2: {  	s10 =	sadd.s32 $0x38F8, s7;
	s11 =	sadd.s32 $0x30, s9  }
0xa3: {  	[hbm4b:s11+s3] =	stream.linear.scatter [tilespmem:s10], [sflag:$0x1], $0x80, $0x38;
	[tilespmem:$0x8000] =	vst v63  }
0xa4: {  	s10 =	sadd.s32 $0x48F8, s7;
	s11 =	sadd.s32 $0x40, s9  }
0xa5: {  	[hbm4b:s11+s3] =	stream.linear.scatter [tilespmem:s10], [sflag:$0x1], $0x80, $0x38;
	[tilespmem:$0x8000] =	vst v63  }
0xa6: {  	s10 =	sadd.s32 $0x58F8, s7;
	s11 =	sadd.s32 $0x50, s9  }
0xa7: {  	[hbm4b:s11+s3] =	stream.linear.scatter [tilespmem:s10], [sflag:$0x1], $0x80, $0x38;
	[tilespmem:$0x8000] =	vst v63  }
0xa8: {  	s10 =	sadd.s32 $0x68F8, s7;
	s11 =	sadd.s32 $0x60, s9  }
0xa9: {  	[hbm4b:s11+s3] =	stream.linear.scatter [tilespmem:s10], [sflag:$0x1], $0x80, $0x38;
	[tilespmem:$0x8000] =	vst v63  }
0xaa: {  	s9 =	sadd.s32 $0x70, s9;
	s11 =	sadd.s32 $0x78F8, s7  }
0xab: {  	[hbm4b:s9+s3] =	stream.linear.scatter [tilespmem:s11], [sflag:$0x1], $0x80, $0x38;
	[tilespmem:$0x8000] =	vst v63  }
0xac: {  	s9 =	sadd.s32 s8, s15;
	s11 =	sadd.s32 $0x978, s7  }
0xad: {  	[hbm4b:s9+s3] =	stream.linear.scatter [tilespmem:s11], [sflag:$0x1], $0x80, $0x38;
	[tilespmem:$0x8000] =	vst v63  }
0xae: {  	s10 =	sadd.s32 $0x1978, s7;
	s11 =	sadd.s32 $0x10, s9  }
0xaf: {  	[hbm4b:s11+s3] =	stream.linear.scatter [tilespmem:s10], [sflag:$0x1], $0x80, $0x38;
	[tilespmem:$0x8000] =	vst v63  }
0xb0: {  	s10 =	sadd.s32 $0x2978, s7;
	s11 =	sadd.s32 $0x20, s9  }
0xb1: {  	[hbm4b:s11+s3] =	stream.linear.scatter [tilespmem:s10], [sflag:$0x1], $0x80, $0x38;
	[tilespmem:$0x8000] =	vst v63  }
0xb2: {  	s10 =	sadd.s32 $0x3978, s7;
	s11 =	sadd.s32 $0x30, s9  }
0xb3: {  	[hbm4b:s11+s3] =	stream.linear.scatter [tilespmem:s10], [sflag:$0x1], $0x80, $0x38;
	[tilespmem:$0x8000] =	vst v63  }
0xb4: {  	s10 =	sadd.s32 $0x4978, s7;
	s11 =	sadd.s32 $0x40, s9  }
0xb5: {  	[hbm4b:s11+s3] =	stream.linear.scatter [tilespmem:s10], [sflag:$0x1], $0x80, $0x38;
	[tilespmem:$0x8000] =	vst v63  }
0xb6: {  	s10 =	sadd.s32 $0x5978, s7;
	s11 =	sadd.s32 $0x50, s9  }
0xb7: {  	[hbm4b:s11+s3] =	stream.linear.scatter [tilespmem:s10], [sflag:$0x1], $0x80, $0x38;
	[tilespmem:$0x8000] =	vst v63  }
0xb8: {  	s10 =	sadd.s32 $0x6978, s7;
	s11 =	sadd.s32 $0x60, s9  }
0xb9: {  	[hbm4b:s11+s3] =	stream.linear.scatter [tilespmem:s10], [sflag:$0x1], $0x80, $0x38;
	[tilespmem:$0x8000] =	vst v63  }
0xba: {  	s9 =	sadd.s32 $0x70, s9;
	s11 =	sadd.s32 $0x7978, s7  }
0xbb: {  	[hbm4b:s9+s3] =	stream.linear.scatter [tilespmem:s11], [sflag:$0x1], $0x80, $0x38;
	[tilespmem:$0x8000] =	vst v63  }
0xbc: {  	s9 =	sadd.s32 s8, s16;
	s11 =	sadd.s32 $0x9F8, s7  }
0xbd: {  	[hbm4b:s9+s3] =	stream.linear.scatter [tilespmem:s11], [sflag:$0x1], $0x80, $0x38;
	[tilespmem:$0x8000] =	vst v63  }
0xbe: {  	s10 =	sadd.s32 $0x19F8, s7;
	s11 =	sadd.s32 $0x10, s9  }
0xbf: {  	[hbm4b:s11+s3] =	stream.linear.scatter [tilespmem:s10], [sflag:$0x1], $0x80, $0x38;
	[tilespmem:$0x8000] =	vst v63  }
0xc0: {  	s10 =	sadd.s32 $0x29F8, s7;
	s11 =	sadd.s32 $0x20, s9  }
0xc1: {  	[hbm4b:s11+s3] =	stream.linear.scatter [tilespmem:s10], [sflag:$0x1], $0x80, $0x38;
	[tilespmem:$0x8000] =	vst v63  }
0xc2: {  	s10 =	sadd.s32 $0x39F8, s7;
	s11 =	sadd.s32 $0x30, s9  }
0xc3: {  	[hbm4b:s11+s3] =	stream.linear.scatter [tilespmem:s10], [sflag:$0x1], $0x80, $0x38;
	[tilespmem:$0x8000] =	vst v63  }
0xc4: {  	s10 =	sadd.s32 $0x49F8, s7;
	s11 =	sadd.s32 $0x40, s9  }
0xc5: {  	[hbm4b:s11+s3] =	stream.linear.scatter [tilespmem:s10], [sflag:$0x1], $0x80, $0x38;
	[tilespmem:$0x8000] =	vst v63  }
0xc6: {  	s10 =	sadd.s32 $0x59F8, s7;
	s11 =	sadd.s32 $0x50, s9  }
0xc7: {  	[hbm4b:s11+s3] =	stream.linear.scatter [tilespmem:s10], [sflag:$0x1], $0x80, $0x38;
	[tilespmem:$0x8000] =	vst v63  }
0xc8: {  	s10 =	sadd.s32 $0x69F8, s7;
	s11 =	sadd.s32 $0x60, s9  }
0xc9: {  	[hbm4b:s11+s3] =	stream.linear.scatter [tilespmem:s10], [sflag:$0x1], $0x80, $0x38;
	[tilespmem:$0x8000] =	vst v63  }
0xca: {  	s9 =	sadd.s32 $0x70, s9;
	s11 =	sadd.s32 $0x79F8, s7  }
0xcb: {  	[hbm4b:s9+s3] =	stream.linear.scatter [tilespmem:s11], [sflag:$0x1], $0x80, $0x38;
	[tilespmem:$0x8000] =	vst v63  }
0xcc: {  	s9 =	sadd.s32 s8, s17;
	s11 =	sadd.s32 $0xA78, s7  }
0xcd: {  	[hbm4b:s9+s3] =	stream.linear.scatter [tilespmem:s11], [sflag:$0x1], $0x80, $0x38;
	[tilespmem:$0x8000] =	vst v63  }
0xce: {  	s10 =	sadd.s32 $0x1A78, s7;
	s11 =	sadd.s32 $0x10, s9  }
0xcf: {  	[hbm4b:s11+s3] =	stream.linear.scatter [tilespmem:s10], [sflag:$0x1], $0x80, $0x38;
	[tilespmem:$0x8000] =	vst v63  }
0xd0: {  	s10 =	sadd.s32 $0x2A78, s7;
	s11 =	sadd.s32 $0x20, s9  }
0xd1: {  	[hbm4b:s11+s3] =	stream.linear.scatter [tilespmem:s10], [sflag:$0x1], $0x80, $0x38;
	[tilespmem:$0x8000] =	vst v63  }
0xd2: {  	s10 =	sadd.s32 $0x3A78, s7;
	s11 =	sadd.s32 $0x30, s9  }
0xd3: {  	[hbm4b:s11+s3] =	stream.linear.scatter [tilespmem:s10], [sflag:$0x1], $0x80, $0x38;
	[tilespmem:$0x8000] =	vst v63  }
0xd4: {  	s10 =	sadd.s32 $0x4A78, s7;
	s11 =	sadd.s32 $0x40, s9  }
0xd5: {  	[hbm4b:s11+s3] =	stream.linear.scatter [tilespmem:s10], [sflag:$0x1], $0x80, $0x38;
	[tilespmem:$0x8000] =	vst v63  }
0xd6: {  	s10 =	sadd.s32 $0x5A78, s7;
	s11 =	sadd.s32 $0x50, s9  }
0xd7: {  	[hbm4b:s11+s3] =	stream.linear.scatter [tilespmem:s10], [sflag:$0x1], $0x80, $0x38;
	[tilespmem:$0x8000] =	vst v63  }
0xd8: {  	s10 =	sadd.s32 $0x6A78, s7;
	s11 =	sadd.s32 $0x60, s9  }
0xd9: {  	[hbm4b:s11+s3] =	stream.linear.scatter [tilespmem:s10], [sflag:$0x1], $0x80, $0x38;
	[tilespmem:$0x8000] =	vst v63  }
0xda: {  	s9 =	sadd.s32 $0x70, s9;
	s11 =	sadd.s32 $0x7A78, s7  }
0xdb: {  	[hbm4b:s9+s3] =	stream.linear.scatter [tilespmem:s11], [sflag:$0x1], $0x80, $0x38;
	[tilespmem:$0x8000] =	vst v63  }
0xdc: {  	s9 =	sadd.s32 s8, s18;
	s11 =	sadd.s32 $0xAF8, s7  }
0xdd: {  	[hbm4b:s9+s3] =	stream.linear.scatter [tilespmem:s11], [sflag:$0x1], $0x80, $0x38;
	[tilespmem:$0x8000] =	vst v63  }
0xde: {  	s10 =	sadd.s32 $0x1AF8, s7;
	s11 =	sadd.s32 $0x10, s9  }
0xdf: {  	[hbm4b:s11+s3] =	stream.linear.scatter [tilespmem:s10], [sflag:$0x1], $0x80, $0x38;
	[tilespmem:$0x8000] =	vst v63  }
0xe0: {  	s10 =	sadd.s32 $0x2AF8, s7;
	s11 =	sadd.s32 $0x20, s9  }
0xe1: {  	[hbm4b:s11+s3] =	stream.linear.scatter [tilespmem:s10], [sflag:$0x1], $0x80, $0x38;
	[tilespmem:$0x8000] =	vst v63  }
0xe2: {  	s10 =	sadd.s32 $0x3AF8, s7;
	s11 =	sadd.s32 $0x30, s9  }
0xe3: {  	[hbm4b:s11+s3] =	stream.linear.scatter [tilespmem:s10], [sflag:$0x1], $0x80, $0x38;
	[tilespmem:$0x8000] =	vst v63  }
0xe4: {  	s10 =	sadd.s32 $0x4AF8, s7;
	s11 =	sadd.s32 $0x40, s9  }
0xe5: {  	[hbm4b:s11+s3] =	stream.linear.scatter [tilespmem:s10], [sflag:$0x1], $0x80, $0x38;
	[tilespmem:$0x8000] =	vst v63  }
0xe6: {  	s10 =	sadd.s32 $0x5AF8, s7;
	s11 =	sadd.s32 $0x50, s9  }
0xe7: {  	[hbm4b:s11+s3] =	stream.linear.scatter [tilespmem:s10], [sflag:$0x1], $0x80, $0x38;
	[tilespmem:$0x8000] =	vst v63  }
0xe8: {  	s10 =	sadd.s32 $0x6AF8, s7;
	s11 =	sadd.s32 $0x60, s9  }
0xe9: {  	[hbm4b:s11+s3] =	stream.linear.scatter [tilespmem:s10], [sflag:$0x1], $0x80, $0x38;
	[tilespmem:$0x8000] =	vst v63  }
0xea: {  	s9 =	sadd.s32 $0x70, s9;
	s11 =	sadd.s32 $0x7AF8, s7  }
0xeb: {  	[hbm4b:s9+s3] =	stream.linear.scatter [tilespmem:s11], [sflag:$0x1], $0x80, $0x38;
	[tilespmem:$0x8000] =	vst v63  }
0xec: {  	s9 =	sadd.s32 s8, s19;
	s11 =	sadd.s32 $0xB78, s7  }
0xed: {  	[hbm4b:s9+s3] =	stream.linear.scatter [tilespmem:s11], [sflag:$0x1], $0x80, $0x38;
	[tilespmem:$0x8000] =	vst v63  }
0xee: {  	s10 =	sadd.s32 $0x1B78, s7;
	s11 =	sadd.s32 $0x10, s9  }
0xef: {  	[hbm4b:s11+s3] =	stream.linear.scatter [tilespmem:s10], [sflag:$0x1], $0x80, $0x38;
	[tilespmem:$0x8000] =	vst v63  }
0xf0: {  	s10 =	sadd.s32 $0x2B78, s7;
	s11 =	sadd.s32 $0x20, s9  }
0xf1: {  	[hbm4b:s11+s3] =	stream.linear.scatter [tilespmem:s10], [sflag:$0x1], $0x80, $0x38;
	[tilespmem:$0x8000] =	vst v63  }
0xf2: {  	s10 =	sadd.s32 $0x3B78, s7;
	s11 =	sadd.s32 $0x30, s9  }
0xf3: {  	[hbm4b:s11+s3] =	stream.linear.scatter [tilespmem:s10], [sflag:$0x1], $0x80, $0x38;
	[tilespmem:$0x8000] =	vst v63  }
0xf4: {  	s10 =	sadd.s32 $0x4B78, s7;
	s11 =	sadd.s32 $0x40, s9  }
0xf5: {  	[hbm4b:s11+s3] =	stream.linear.scatter [tilespmem:s10], [sflag:$0x1], $0x80, $0x38;
	[tilespmem:$0x8000] =	vst v63  }
0xf6: {  	s10 =	sadd.s32 $0x5B78, s7;
	s11 =	sadd.s32 $0x50, s9  }
0xf7: {  	[hbm4b:s11+s3] =	stream.linear.scatter [tilespmem:s10], [sflag:$0x1], $0x80, $0x38;
	[tilespmem:$0x8000] =	vst v63  }
0xf8: {  	s10 =	sadd.s32 $0x6B78, s7;
	s11 =	sadd.s32 $0x60, s9  }
0xf9: {  	[hbm4b:s11+s3] =	stream.linear.scatter [tilespmem:s10], [sflag:$0x1], $0x80, $0x38;
	[tilespmem:$0x8000] =	vst v63  }
0xfa: {  	s9 =	sadd.s32 $0x70, s9;
	s11 =	sadd.s32 $0x7B78, s7  }
0xfb: {  	[hbm4b:s9+s3] =	stream.linear.scatter [tilespmem:s11], [sflag:$0x1], $0x80, $0x38;
	[tilespmem:$0x8000] =	vst v63  }
0xfc: {  	s9 =	sadd.s32 s8, s20;
	s11 =	sadd.s32 $0xBF8, s7  }
0xfd: {  	[hbm4b:s9+s3] =	stream.linear.scatter [tilespmem:s11], [sflag:$0x1], $0x80, $0x38;
	[tilespmem:$0x8000] =	vst v63  }
0xfe: {  	s10 =	sadd.s32 $0x1BF8, s7;
	s11 =	sadd.s32 $0x10, s9  }
0xff: {  	[hbm4b:s11+s3] =	stream.linear.scatter [tilespmem:s10], [sflag:$0x1], $0x80, $0x38;
	[tilespmem:$0x8000] =	vst v63  }
0x100: {  	s10 =	sadd.s32 $0x2BF8, s7;
	s11 =	sadd.s32 $0x20, s9  }
0x101: {  	[hbm4b:s11+s3] =	stream.linear.scatter [tilespmem:s10], [sflag:$0x1], $0x80, $0x38;
	[tilespmem:$0x8000] =	vst v63  }
0x102: {  	s10 =	sadd.s32 $0x3BF8, s7;
	s11 =	sadd.s32 $0x30, s9  }
0x103: {  	[hbm4b:s11+s3] =	stream.linear.scatter [tilespmem:s10], [sflag:$0x1], $0x80, $0x38;
	[tilespmem:$0x8000] =	vst v63  }
0x104: {  	s10 =	sadd.s32 $0x4BF8, s7;
	s11 =	sadd.s32 $0x40, s9  }
0x105: {  	[hbm4b:s11+s3] =	stream.linear.scatter [tilespmem:s10], [sflag:$0x1], $0x80, $0x38;
	[tilespmem:$0x8000] =	vst v63  }
0x106: {  	s10 =	sadd.s32 $0x5BF8, s7;
	s11 =	sadd.s32 $0x50, s9  }
0x107: {  	[hbm4b:s11+s3] =	stream.linear.scatter [tilespmem:s10], [sflag:$0x1], $0x80, $0x38;
	[tilespmem:$0x8000] =	vst v63  }
0x108: {  	s10 =	sadd.s32 $0x6BF8, s7;
	s11 =	sadd.s32 $0x60, s9  }
0x109: {  	[hbm4b:s11+s3] =	stream.linear.scatter [tilespmem:s10], [sflag:$0x1], $0x80, $0x38;
	[tilespmem:$0x8000] =	vst v63  }
0x10a: {  	s9 =	sadd.s32 $0x70, s9;
	s11 =	sadd.s32 $0x7BF8, s7  }
0x10b: {  	[hbm4b:s9+s3] =	stream.linear.scatter [tilespmem:s11], [sflag:$0x1], $0x80, $0x38;
	[tilespmem:$0x8000] =	vst v63  }
0x10c: {  	s9 =	sadd.s32 s8, s21;
	s11 =	sadd.s32 $0xC78, s7  }
0x10d: {  	[hbm4b:s9+s3] =	stream.linear.scatter [tilespmem:s11], [sflag:$0x1], $0x80, $0x38;
	[tilespmem:$0x8000] =	vst v63  }
0x10e: {  	s10 =	sadd.s32 $0x1C78, s7;
	s11 =	sadd.s32 $0x10, s9  }
0x10f: {  	[hbm4b:s11+s3] =	stream.linear.scatter [tilespmem:s10], [sflag:$0x1], $0x80, $0x38;
	[tilespmem:$0x8000] =	vst v63  }
0x110: {  	s10 =	sadd.s32 $0x2C78, s7;
	s11 =	sadd.s32 $0x20, s9  }
0x111: {  	[hbm4b:s11+s3] =	stream.linear.scatter [tilespmem:s10], [sflag:$0x1], $0x80, $0x38;
	[tilespmem:$0x8000] =	vst v63  }
0x112: {  	s10 =	sadd.s32 $0x3C78, s7;
	s11 =	sadd.s32 $0x30, s9  }
0x113: {  	[hbm4b:s11+s3] =	stream.linear.scatter [tilespmem:s10], [sflag:$0x1], $0x80, $0x38;
	[tilespmem:$0x8000] =	vst v63  }
0x114: {  	s10 =	sadd.s32 $0x4C78, s7;
	s11 =	sadd.s32 $0x40, s9  }
0x115: {  	[hbm4b:s11+s3] =	stream.linear.scatter [tilespmem:s10], [sflag:$0x1], $0x80, $0x38;
	[tilespmem:$0x8000] =	vst v63  }
0x116: {  	s10 =	sadd.s32 $0x5C78, s7;
	s11 =	sadd.s32 $0x50, s9  }
0x117: {  	[hbm4b:s11+s3] =	stream.linear.scatter [tilespmem:s10], [sflag:$0x1], $0x80, $0x38;
	[tilespmem:$0x8000] =	vst v63  }
0x118: {  	s10 =	sadd.s32 $0x6C78, s7;
	s11 =	sadd.s32 $0x60, s9  }
0x119: {  	[hbm4b:s11+s3] =	stream.linear.scatter [tilespmem:s10], [sflag:$0x1], $0x80, $0x38;
	[tilespmem:$0x8000] =	vst v63  }
0x11a: {  	s9 =	sadd.s32 $0x70, s9;
	s11 =	sadd.s32 $0x7C78, s7  }
0x11b: {  	[hbm4b:s9+s3] =	stream.linear.scatter [tilespmem:s11], [sflag:$0x1], $0x80, $0x38;
	[tilespmem:$0x8000] =	vst v63  }
0x11c: {  	s9 =	sadd.s32 s8, s23;
	s11 =	sadd.s32 $0xCF8, s7  }
0x11d: {  	[hbm4b:s9+s3] =	stream.linear.scatter [tilespmem:s11], [sflag:$0x1], $0x80, $0x38;
	[tilespmem:$0x8000] =	vst v63  }
0x11e: {  	s10 =	sadd.s32 $0x1CF8, s7;
	s11 =	sadd.s32 $0x10, s9  }
0x11f: {  	[hbm4b:s11+s3] =	stream.linear.scatter [tilespmem:s10], [sflag:$0x1], $0x80, $0x38;
	[tilespmem:$0x8000] =	vst v63  }
0x120: {  	s10 =	sadd.s32 $0x2CF8, s7;
	s11 =	sadd.s32 $0x20, s9  }
0x121: {  	[hbm4b:s11+s3] =	stream.linear.scatter [tilespmem:s10], [sflag:$0x1], $0x80, $0x38;
	[tilespmem:$0x8000] =	vst v63  }
0x122: {  	s10 =	sadd.s32 $0x3CF8, s7;
	s11 =	sadd.s32 $0x30, s9  }
0x123: {  	[hbm4b:s11+s3] =	stream.linear.scatter [tilespmem:s10], [sflag:$0x1], $0x80, $0x38;
	[tilespmem:$0x8000] =	vst v63  }
0x124: {  	s10 =	sadd.s32 $0x4CF8, s7;
	s11 =	sadd.s32 $0x40, s9  }
0x125: {  	[hbm4b:s11+s3] =	stream.linear.scatter [tilespmem:s10], [sflag:$0x1], $0x80, $0x38;
	[tilespmem:$0x8000] =	vst v63  }
0x126: {  	s10 =	sadd.s32 $0x5CF8, s7;
	s11 =	sadd.s32 $0x50, s9  }
0x127: {  	[hbm4b:s11+s3] =	stream.linear.scatter [tilespmem:s10], [sflag:$0x1], $0x80, $0x38;
	[tilespmem:$0x8000] =	vst v63  }
0x128: {  	s10 =	sadd.s32 $0x6CF8, s7;
	s11 =	sadd.s32 $0x60, s9  }
0x129: {  	[hbm4b:s11+s3] =	stream.linear.scatter [tilespmem:s10], [sflag:$0x1], $0x80, $0x38;
	[tilespmem:$0x8000] =	vst v63  }
0x12a: {  	s9 =	sadd.s32 $0x70, s9;
	s11 =	sadd.s32 $0x7CF8, s7  }
0x12b: {  	[hbm4b:s9+s3] =	stream.linear.scatter [tilespmem:s11], [sflag:$0x1], $0x80, $0x38;
	[tilespmem:$0x8000] =	vst v63  }
0x12c: {  	s9 =	sadd.s32 s8, s26;
	s11 =	sadd.s32 $0xD78, s7  }
0x12d: {  	[hbm4b:s9+s3] =	stream.linear.scatter [tilespmem:s11], [sflag:$0x1], $0x80, $0x38;
	[tilespmem:$0x8000] =	vst v63  }
0x12e: {  	s10 =	sadd.s32 $0x1D78, s7;
	s11 =	sadd.s32 $0x10, s9  }
0x12f: {  	[hbm4b:s11+s3] =	stream.linear.scatter [tilespmem:s10], [sflag:$0x1], $0x80, $0x38;
	[tilespmem:$0x8000] =	vst v63  }
0x130: {  	s10 =	sadd.s32 $0x2D78, s7;
	s11 =	sadd.s32 $0x20, s9  }
0x131: {  	[hbm4b:s11+s3] =	stream.linear.scatter [tilespmem:s10], [sflag:$0x1], $0x80, $0x38;
	[tilespmem:$0x8000] =	vst v63  }
0x132: {  	s10 =	sadd.s32 $0x3D78, s7;
	s11 =	sadd.s32 $0x30, s9  }
0x133: {  	[hbm4b:s11+s3] =	stream.linear.scatter [tilespmem:s10], [sflag:$0x1], $0x80, $0x38;
	[tilespmem:$0x8000] =	vst v63  }
0x134: {  	s10 =	sadd.s32 $0x4D78, s7;
	s11 =	sadd.s32 $0x40, s9  }
0x135: {  	[hbm4b:s11+s3] =	stream.linear.scatter [tilespmem:s10], [sflag:$0x1], $0x80, $0x38;
	[tilespmem:$0x8000] =	vst v63  }
0x136: {  	s10 =	sadd.s32 $0x5D78, s7;
	s11 =	sadd.s32 $0x50, s9  }
0x137: {  	[hbm4b:s11+s3] =	stream.linear.scatter [tilespmem:s10], [sflag:$0x1], $0x80, $0x38;
	[tilespmem:$0x8000] =	vst v63  }
0x138: {  	s10 =	sadd.s32 $0x6D78, s7;
	s11 =	sadd.s32 $0x60, s9  }
0x139: {  	[hbm4b:s11+s3] =	stream.linear.scatter [tilespmem:s10], [sflag:$0x1], $0x80, $0x38;
	[tilespmem:$0x8000] =	vst v63  }
0x13a: {  	s9 =	sadd.s32 $0x70, s9;
	s11 =	sadd.s32 $0x7D78, s7  }
0x13b: {  	[hbm4b:s9+s3] =	stream.linear.scatter [tilespmem:s11], [sflag:$0x1], $0x80, $0x38;
	[tilespmem:$0x8000] =	vst v63  }
0x13c: {  	s9 =	sadd.s32 s8, s28;
	s11 =	sadd.s32 $0xDF8, s7  }
0x13d: {  	[hbm4b:s9+s3] =	stream.linear.scatter [tilespmem:s11], [sflag:$0x1], $0x80, $0x38;
	[tilespmem:$0x8000] =	vst v63  }
0x13e: {  	s10 =	sadd.s32 $0x1DF8, s7;
	s11 =	sadd.s32 $0x10, s9  }
0x13f: {  	[hbm4b:s11+s3] =	stream.linear.scatter [tilespmem:s10], [sflag:$0x1], $0x80, $0x38;
	[tilespmem:$0x8000] =	vst v63  }
0x140: {  	s10 =	sadd.s32 $0x2DF8, s7;
	s11 =	sadd.s32 $0x20, s9  }
0x141: {  	[hbm4b:s11+s3] =	stream.linear.scatter [tilespmem:s10], [sflag:$0x1], $0x80, $0x38;
	[tilespmem:$0x8000] =	vst v63  }
0x142: {  	s10 =	sadd.s32 $0x3DF8, s7;
	s11 =	sadd.s32 $0x30, s9  }
0x143: {  	[hbm4b:s11+s3] =	stream.linear.scatter [tilespmem:s10], [sflag:$0x1], $0x80, $0x38;
	[tilespmem:$0x8000] =	vst v63  }
0x144: {  	s10 =	sadd.s32 $0x4DF8, s7;
	s11 =	sadd.s32 $0x40, s9  }
0x145: {  	[hbm4b:s11+s3] =	stream.linear.scatter [tilespmem:s10], [sflag:$0x1], $0x80, $0x38;
	[tilespmem:$0x8000] =	vst v63  }
0x146: {  	s10 =	sadd.s32 $0x5DF8, s7;
	s11 =	sadd.s32 $0x50, s9  }
0x147: {  	[hbm4b:s11+s3] =	stream.linear.scatter [tilespmem:s10], [sflag:$0x1], $0x80, $0x38;
	[tilespmem:$0x8000] =	vst v63  }
0x148: {  	s10 =	sadd.s32 $0x6DF8, s7;
	s11 =	sadd.s32 $0x60, s9  }
0x149: {  	[hbm4b:s11+s3] =	stream.linear.scatter [tilespmem:s10], [sflag:$0x1], $0x80, $0x38;
	[tilespmem:$0x8000] =	vst v63  }
0x14a: {  	s9 =	sadd.s32 $0x70, s9;
	s11 =	sadd.s32 $0x7DF8, s7  }
0x14b: {  	[hbm4b:s9+s3] =	stream.linear.scatter [tilespmem:s11], [sflag:$0x1], $0x80, $0x38;
	[tilespmem:$0x8000] =	vst v63  }
0x14c: {  	s9 =	sadd.s32 s8, s29;
	s11 =	sadd.s32 $0xE78, s7  }
0x14d: {  	[hbm4b:s9+s3] =	stream.linear.scatter [tilespmem:s11], [sflag:$0x1], $0x80, $0x38;
	[tilespmem:$0x8000] =	vst v63  }
0x14e: {  	s10 =	sadd.s32 $0x1E78, s7;
	s11 =	sadd.s32 $0x10, s9  }
0x14f: {  	[hbm4b:s11+s3] =	stream.linear.scatter [tilespmem:s10], [sflag:$0x1], $0x80, $0x38;
	[tilespmem:$0x8000] =	vst v63  }
0x150: {  	s10 =	sadd.s32 $0x2E78, s7;
	s11 =	sadd.s32 $0x20, s9  }
0x151: {  	[hbm4b:s11+s3] =	stream.linear.scatter [tilespmem:s10], [sflag:$0x1], $0x80, $0x38;
	[tilespmem:$0x8000] =	vst v63  }
0x152: {  	s10 =	sadd.s32 $0x3E78, s7;
	s11 =	sadd.s32 $0x30, s9  }
0x153: {  	[hbm4b:s11+s3] =	stream.linear.scatter [tilespmem:s10], [sflag:$0x1], $0x80, $0x38;
	[tilespmem:$0x8000] =	vst v63  }
0x154: {  	s10 =	sadd.s32 $0x4E78, s7;
	s11 =	sadd.s32 $0x40, s9  }
0x155: {  	[hbm4b:s11+s3] =	stream.linear.scatter [tilespmem:s10], [sflag:$0x1], $0x80, $0x38;
	[tilespmem:$0x8000] =	vst v63  }
0x156: {  	s10 =	sadd.s32 $0x5E78, s7;
	s11 =	sadd.s32 $0x50, s9  }
0x157: {  	[hbm4b:s11+s3] =	stream.linear.scatter [tilespmem:s10], [sflag:$0x1], $0x80, $0x38;
	[tilespmem:$0x8000] =	vst v63  }
0x158: {  	s10 =	sadd.s32 $0x6E78, s7;
	s11 =	sadd.s32 $0x60, s9  }
0x159: {  	[hbm4b:s11+s3] =	stream.linear.scatter [tilespmem:s10], [sflag:$0x1], $0x80, $0x38;
	[tilespmem:$0x8000] =	vst v63  }
0x15a: {  	s9 =	sadd.s32 $0x70, s9;
	s11 =	sadd.s32 $0x7E78, s7  }
0x15b: {  	[hbm4b:s9+s3] =	stream.linear.scatter [tilespmem:s11], [sflag:$0x1], $0x80, $0x38;
	[tilespmem:$0x8000] =	vst v63  }
0x15c: {  	s9 =	sadd.s32 s8, s30;
	s11 =	sadd.s32 $0xEF8, s7  }
0x15d: {  	[hbm4b:s9+s3] =	stream.linear.scatter [tilespmem:s11], [sflag:$0x1], $0x80, $0x38;
	[tilespmem:$0x8000] =	vst v63  }
0x15e: {  	s10 =	sadd.s32 $0x1EF8, s7;
	s11 =	sadd.s32 $0x10, s9  }
0x15f: {  	[hbm4b:s11+s3] =	stream.linear.scatter [tilespmem:s10], [sflag:$0x1], $0x80, $0x38;
	[tilespmem:$0x8000] =	vst v63  }
0x160: {  	s10 =	sadd.s32 $0x2EF8, s7;
	s11 =	sadd.s32 $0x20, s9  }
0x161: {  	[hbm4b:s11+s3] =	stream.linear.scatter [tilespmem:s10], [sflag:$0x1], $0x80, $0x38;
	[tilespmem:$0x8000] =	vst v63  }
0x162: {  	s10 =	sadd.s32 $0x3EF8, s7;
	s11 =	sadd.s32 $0x30, s9  }
0x163: {  	[hbm4b:s11+s3] =	stream.linear.scatter [tilespmem:s10], [sflag:$0x1], $0x80, $0x38;
	[tilespmem:$0x8000] =	vst v63  }
0x164: {  	s10 =	sadd.s32 $0x4EF8, s7;
	s11 =	sadd.s32 $0x40, s9  }
0x165: {  	[hbm4b:s11+s3] =	stream.linear.scatter [tilespmem:s10], [sflag:$0x1], $0x80, $0x38;
	[tilespmem:$0x8000] =	vst v63  }
0x166: {  	s10 =	sadd.s32 $0x5EF8, s7;
	s11 =	sadd.s32 $0x50, s9  }
0x167: {  	[hbm4b:s11+s3] =	stream.linear.scatter [tilespmem:s10], [sflag:$0x1], $0x80, $0x38;
	[tilespmem:$0x8000] =	vst v63  }
0x168: {  	s10 =	sadd.s32 $0x6EF8, s7;
	s11 =	sadd.s32 $0x60, s9  }
0x169: {  	[hbm4b:s11+s3] =	stream.linear.scatter [tilespmem:s10], [sflag:$0x1], $0x80, $0x38;
	[tilespmem:$0x8000] =	vst v63  }
0x16a: {  	s9 =	sadd.s32 $0x70, s9;
	s11 =	sadd.s32 $0x7EF8, s7  }
0x16b: {  	[hbm4b:s9+s3] =	stream.linear.scatter [tilespmem:s11], [sflag:$0x1], $0x80, $0x38;
	[tilespmem:$0x8000] =	vst v63  }
0x16c: {  	s8 =	sadd.s32 s8, s31;
	s11 =	sadd.s32 $0xF78, s7  }
0x16d: {  	[hbm4b:s8+s3] =	stream.linear.scatter [tilespmem:s11], [sflag:$0x1], $0x80, $0x38;
	[tilespmem:$0x8000] =	vst v63  }
0x16e: {  	s10 =	sadd.s32 $0x1F78, s7;
	s11 =	sadd.s32 $0x10, s8  }
0x16f: {  	[hbm4b:s11+s3] =	stream.linear.scatter [tilespmem:s10], [sflag:$0x1], $0x80, $0x38;
	[tilespmem:$0x8000] =	vst v63  }
0x170: {  	s10 =	sadd.s32 $0x2F78, s7;
	s11 =	sadd.s32 $0x20, s8  }
0x171: {  	[hbm4b:s11+s3] =	stream.linear.scatter [tilespmem:s10], [sflag:$0x1], $0x80, $0x38;
	[tilespmem:$0x8000] =	vst v63  }
0x172: {  	s10 =	sadd.s32 $0x3F78, s7;
	s11 =	sadd.s32 $0x30, s8  }
0x173: {  	[hbm4b:s11+s3] =	stream.linear.scatter [tilespmem:s10], [sflag:$0x1], $0x80, $0x38;
	[tilespmem:$0x8000] =	vst v63  }
0x174: {  	s10 =	sadd.s32 $0x4F78, s7;
	s11 =	sadd.s32 $0x40, s8  }
0x175: {  	[hbm4b:s11+s3] =	stream.linear.scatter [tilespmem:s10], [sflag:$0x1], $0x80, $0x38;
	[tilespmem:$0x8000] =	vst v63  }
0x176: {  	p0 =	slt.u32 s6, $0x8;
	s10 =	sadd.s32 $0x5F78, s7;
	s11 =	sadd.s32 $0x50, s8  }
0x177: {  	[hbm4b:s11+s3] =	stream.linear.scatter [tilespmem:s10], [sflag:$0x1], $0x80, $0x38;
	[tilespmem:$0x8000] =	vst v63  }
.Ltmp5:
0x178: {  	_ = 	snop;
	(pc) =	sbr.rel @p0 .LBB2_5-.Ltmp5, $4  }
.Ltmp6:
0x179: {  	s10 =	sadd.s32 $0x6F78, s7;
	s11 =	sadd.s32 $0x60, s8;
	(pc) =	sbr.rel @!p0 .LBB2_4-.Ltmp6, $4  }
0x17a: {  	[hbm4b:s11+s3] =	stream.linear.scatter [tilespmem:s10], [sflag:$0x1], $0x80, $0x38;
	[tilespmem:$0x8000] =	vst v63  }
0x17b: {  	s7 =	sadd.s32 $0x7F78, s7;
	s8 =	sadd.s32 $0x70, s8  }
0x17c: {  	[hbm4b:s8+s3] =	stream.linear.scatter [tilespmem:s7], [sflag:$0x1], $0x80, $0x38;
	[tilespmem:$0x8000] =	vst v63  }
0x17d: {  	_ = 	snop  }
.LBB2_7:
0x17e: {  	_ =	sfence.sel $0x180000  }
0x17f: {  	[bflag:$0x0] =	sbarrier.arrive $0xFFFF  }
0x180: {  	_ =	strace $0x90000047  }
0x181: {  	s0 =	stileid.u32;
	[bflag:$0x2] =	sbarrier.arrive $0xFFFF  }
0x182: {  	p0 =	sne.s32 s0, $0x0;
	s0 =	rddreg [dreg:$0x2]  }
0x183: {  	s0 =	sadd.s32 @!p0 $0x100000, s0  }
0x184: {  	[sflag:s0] =	ssyncadd.tile.s32 @!p0 $0x1;
	_ =	shalt  }
.Lfunc_end2:
_tile_overlayer_lowered:
.L_overlay_start_2:
0x185: {  	(tag) =	ssettag $0x2  }
0x186: {  	s0 =	rddreg [dreg:$0x0];
	s2 =	stileid.u32  }
0x187: {  	s1 =	rddreg [dreg:$0x1];
	p0 =	sne.s32 s2, $0x0  }
0x188: {  	s3 =	rddreg [dreg:$0x2];
	[bflag:$0x3] =	sbarrier.arrive $0xFFFF;
	s2 =	simm.s32 @!p0 $0x1C02  }
0x189: {  	[timem:s3], [sflag:s2] =	dma.local @!p0 [hbm:s0], s1  }
0x18a: {  	s0 =	simm.s32 @!p0 $0x2  }
0x18b: {  	_ =	swait.ge @!p0 [sflag:s0], s1  }
0x18c: {  	s1 =	ssub.s32 @!p0 $0x0, s1;
	[sflag:s0] =	ssyncset.done @!p0 $0x0  }
0x18d: {  	[sflag:s0] =	ssyncadd.s32 @!p0 s1  }
0x18e: {  	[bflag:$0x3] =	sbarrier.arrive $0xFFFF  }
0x18f: {  	_ =	shalt  }

</sc_bundles>
